<compile_context>
chip_gen: v7x
topology: tpu7x:2x2x1
jax: 0.10.2.dev20260603
libtpu: 0.0.44.dev20260713+nightly
codegen_flags: <defaults>
</compile_context>

<pallas_src>
import functools

import jax
import jax.numpy as jnp
from jax import lax
from jax.experimental import pallas as pl
from jax.experimental.pallas import tpu as pltpu
from jax.experimental.pallas import tpu_sc as plsc

_NC = 2
_NS = 16
_NW = _NC * _NS


def _pick_chunk(ept):
    for k in range(128, 7, -8):
        if ept % k == 0:
            return k
    raise ValueError(f"no valid chunk size for {ept} edges per tile")


def _make_deg(n_pad, ept):
    mesh = plsc.VectorSubcoreMesh(core_axis_name="c", subcore_axis_name="s")
    ngrp = ept // 16

    @functools.partial(
        pl.kernel,
        mesh=mesh,
        out_type=jax.ShapeDtypeStruct((_NW, 1, n_pad), jnp.float32),
        scratch_types=[
            pltpu.VMEM((ept,), jnp.int32),
            pltpu.VMEM((n_pad,), jnp.float32),
        ],
        compiler_params=pltpu.CompilerParams(needs_layout_passes=False),
    )
    def deg(dst_hbm, zero_hbm, out_hbm, dst_v, hist):
        cid = lax.axis_index("c")
        sid = lax.axis_index("s")
        wid = sid * _NC + cid
        pltpu.sync_copy(zero_hbm, hist)
        pltpu.sync_copy(dst_hbm.at[pl.ds(wid * ept, ept)], dst_v)
        ones16 = jnp.ones((16,), jnp.float32)

        def body(g, c):
            idx = dst_v[pl.ds(g * 16, 16)]
            plsc.addupdate_scatter(hist, [idx], ones16)
            return c

        lax.fori_loop(0, ngrp, body, 0)
        pltpu.sync_copy(hist, out_hbm.at[wid, 0])

    return deg


def _make_agg(n_pad, d, nchunk, k):
    rpt = n_pad // _NS
    mesh = plsc.VectorSubcoreMesh(core_axis_name="c", subcore_axis_name="s")

    ept = nchunk * k

    @functools.partial(
        pl.kernel,
        mesh=mesh,
        out_type=jax.ShapeDtypeStruct((_NC, n_pad, d), jnp.float32),
        scratch_types=[
            pltpu.VMEM((nchunk, k), jnp.int32),
            pltpu.VMEM((k,), jnp.int32),
            pltpu.VMEM((k,), jnp.int32),
            pltpu.VMEM((k,), jnp.int32),
            pltpu.VMEM((k, d), jnp.float32),
            pltpu.VMEM((k, d), jnp.float32),
            pltpu.VMEM((k, d), jnp.float32),
            pltpu.VMEM_SHARED((n_pad, d), jnp.float32),
            pltpu.SemaphoreType.DMA,
            pltpu.SemaphoreType.DMA,
            pltpu.SemaphoreType.DMA,
            pltpu.SemaphoreType.DMA,
            pltpu.SemaphoreType.DMA,
            pltpu.SemaphoreType.DMA,
        ],
    )
    def agg(src_hbm, dst_hbm, h_hbm, zero_hbm, out_hbm,
            dst_v, stage_a, stage_b, stage_c, rows_a, rows_b, rows_c, acc,
            sem_a, sem_b, sem_c, sem_ia, sem_ib, sem_ic):
        cid = lax.axis_index("c")
        sid = lax.axis_index("s")
        wid = sid * _NC + cid
        r0 = sid * rpt
        base = wid * ept
        pltpu.sync_copy(zero_hbm.at[pl.ds(r0, rpt)], acc.at[pl.ds(r0, rpt)])
        pltpu.sync_copy(dst_hbm.at[wid], dst_v)
        plsc.subcore_barrier()

        def sidx(j):
            return src_hbm.at[pl.ds(base + j * k, k)]

        last = nchunk - 1
        if nchunk % 3 == 2 and nchunk >= 5:
            pltpu.sync_copy(sidx(0), stage_a)
            pltpu.sync_copy(sidx(1), stage_b)
            pltpu.async_copy(h_hbm.at[stage_a], rows_a, sem_a)
            pltpu.async_copy(h_hbm.at[stage_b], rows_b, sem_b)
            pltpu.async_copy(sidx(2), stage_c, sem_ic)

            def body(i, c):
                j0 = 3 * i
                pltpu.make_async_copy(sidx(j0 + 2), stage_c, sem_ic).wait()
                pltpu.make_async_copy(h_hbm.at[stage_a], rows_a, sem_a).wait()
                pltpu.async_copy(h_hbm.at[stage_c], rows_c, sem_c)
                pltpu.async_copy(sidx(j0 + 3), stage_a, sem_ia)
                pltpu.sync_copy(rows_a, acc.at[dst_v.at[j0]], add=True)
                pltpu.make_async_copy(sidx(j0 + 3), stage_a, sem_ia).wait()
                pltpu.make_async_copy(h_hbm.at[stage_b], rows_b, sem_b).wait()
                pltpu.async_copy(h_hbm.at[stage_a], rows_a, sem_a)
                pltpu.async_copy(sidx(j0 + 4), stage_b, sem_ib)
                pltpu.sync_copy(rows_b, acc.at[dst_v.at[j0 + 1]], add=True)
                pltpu.make_async_copy(sidx(j0 + 4), stage_b, sem_ib).wait()
                pltpu.make_async_copy(h_hbm.at[stage_c], rows_c, sem_c).wait()
                pltpu.async_copy(h_hbm.at[stage_b], rows_b, sem_b)
                j5 = jnp.minimum(j0 + 5, last)
                pltpu.async_copy(sidx(j5), stage_c, sem_ic)
                pltpu.sync_copy(rows_c, acc.at[dst_v.at[j0 + 2]], add=True)
                return c

            lax.fori_loop(0, (nchunk - 2) // 3, body, 0)
            pltpu.make_async_copy(h_hbm.at[stage_a], rows_a, sem_a).wait()
            pltpu.sync_copy(rows_a, acc.at[dst_v.at[last - 1]], add=True)
            pltpu.make_async_copy(h_hbm.at[stage_b], rows_b, sem_b).wait()
            pltpu.make_async_copy(sidx(last), stage_c, sem_ic).wait()
            pltpu.sync_copy(rows_b, acc.at[dst_v.at[last]], add=True)
        elif nchunk % 2 == 1 and nchunk >= 3:
            pltpu.sync_copy(sidx(0), stage_a)
            pltpu.async_copy(h_hbm.at[stage_a], rows_a, sem_a)
            pltpu.async_copy(sidx(1), stage_b, sem_ib)

            def body(i, c):
                j0 = 2 * i
                pltpu.make_async_copy(sidx(j0 + 1), stage_b, sem_ib).wait()
                pltpu.make_async_copy(h_hbm.at[stage_a], rows_a, sem_a).wait()
                pltpu.async_copy(h_hbm.at[stage_b], rows_b, sem_b)
                pltpu.async_copy(sidx(j0 + 2), stage_a, sem_ia)
                pltpu.sync_copy(rows_a, acc.at[dst_v.at[j0]], add=True)
                pltpu.make_async_copy(sidx(j0 + 2), stage_a, sem_ia).wait()
                pltpu.make_async_copy(h_hbm.at[stage_b], rows_b, sem_b).wait()
                pltpu.async_copy(h_hbm.at[stage_a], rows_a, sem_a)
                j3 = jnp.minimum(j0 + 3, last)
                pltpu.async_copy(sidx(j3), stage_b, sem_ib)
                pltpu.sync_copy(rows_b, acc.at[dst_v.at[j0 + 1]], add=True)
                return c

            lax.fori_loop(0, (nchunk - 1) // 2, body, 0)
            pltpu.make_async_copy(h_hbm.at[stage_a], rows_a, sem_a).wait()
            pltpu.make_async_copy(sidx(last), stage_b, sem_ib).wait()
            pltpu.sync_copy(rows_a, acc.at[dst_v.at[last]], add=True)
        else:
            def body(j, c):
                pltpu.sync_copy(sidx(j), stage_a)
                pltpu.async_copy(h_hbm.at[stage_a], rows_a, sem_a).wait()
                pltpu.sync_copy(rows_a, acc.at[dst_v.at[j]], add=True)
                return c

            lax.fori_loop(0, nchunk, body, 0)

        plsc.subcore_barrier()
        pltpu.sync_copy(acc.at[pl.ds(r0, rpt)], out_hbm.at[cid, pl.ds(r0, rpt)])

    return agg


def _dinv_of(deg_ref):
    dsum = jnp.sum(deg_ref[...], axis=0, keepdims=True) + 1.0
    dinv_row = lax.rsqrt(dsum)
    one = jnp.ones((1, 1), jnp.float32)
    return lax.dot_general(dinv_row, one, (((0,), (0,)), ((), ())),
                           preferred_element_type=jnp.float32)


def _mm1_body(x_ref, w_ref, deg_ref, out_ref):
    dinv = _dinv_of(deg_ref)
    out_ref[...] = jnp.dot(x_ref[...], w_ref[...],
                           preferred_element_type=jnp.float32) * dinv


def _mm2_body(a0_ref, a1_ref, hp_ref, deg_ref, b_ref, w_ref, out_ref):
    dinv = _dinv_of(deg_ref)
    h1 = (a0_ref[...] + a1_ref[...] + hp_ref[...]) * dinv + b_ref[...]
    h1 = jnp.maximum(h1, 0.0)
    out_ref[...] = jnp.dot(h1, w_ref[...],
                           preferred_element_type=jnp.float32) * dinv


def _make_z_body(dout):
    def _z_body(a0_ref, a1_ref, hp_ref, deg_ref, b_ref,
                zfull_ref, z_ref):
        dinv = _dinv_of(deg_ref)
        zf = (a0_ref[...] + a1_ref[...] + hp_ref[...]) * dinv + b_ref[...]
        zfull_ref[...] = zf
        z_ref[...] = zf[:, :dout]
    return _z_body


def _dec_body(za_ref, zb_ref, out_ref):
    s = lax.dot_general(za_ref[...], zb_ref[...],
                        (((1,), (1,)), ((), ())),
                        preferred_element_type=jnp.float32)
    out_ref[...] = 0.5 * jnp.tanh(0.5 * s) + 0.5


def kernel(x, edge_index, W1, b1, W2, b2):
    n, din = x.shape
    dhid = W1.shape[1]
    dout = W2.shape[1]
    e = edge_index.shape[1]
    ept = e // _NW
    k = _pick_chunk(ept)
    nchunk = ept // k

    n_pad = ((n + 127) // 128) * 128

    src = edge_index[0]
    dst_flat = edge_index[1]
    dst = edge_index[1].reshape(_NW, nchunk, k)
    z1r = jnp.zeros((n_pad,), jnp.float32)
    zhid = jnp.zeros((n_pad, dhid), jnp.float32)
    b1r = b1.reshape(1, dhid)
    b2r = b2.reshape(1, dout)
    d2 = max(dout, 128)
    W2p = jnp.pad(W2, ((0, 0), (0, d2 - dout))) if d2 != dout else W2
    b2p = jnp.pad(b2r, ((0, 0), (0, d2 - dout))) if d2 != dout else b2r

    deg32 = _make_deg(n_pad, ept)(dst_flat, z1r).reshape(_NW, n_pad)

    R = 1024
    grid = (pl.cdiv(n, R),)
    row = lambda i: (i, 0)
    fixed = lambda i: (0, 0)
    dspec = pl.BlockSpec((_NW, R), lambda i: (0, i))

    h1p = pl.pallas_call(
        _mm1_body,
        grid=grid,
        in_specs=[
            pl.BlockSpec((R, din), row),
            pl.BlockSpec((din, dhid), fixed),
            dspec,
        ],
        out_specs=pl.BlockSpec((R, dhid), row),
        out_shape=jax.ShapeDtypeStruct((n, dhid), jnp.float32),
    )(x, W1, deg32)

    agg1 = _make_agg(n_pad, dhid, nchunk, k)(src, dst, h1p, zhid)
    a10, a11 = agg1[0], agg1[1]

    h2p = pl.pallas_call(
        _mm2_body,
        grid=grid,
        in_specs=[
            pl.BlockSpec((R, dhid), row),
            pl.BlockSpec((R, dhid), row),
            pl.BlockSpec((R, dhid), row),
            dspec,
            pl.BlockSpec((1, dhid), fixed),
            pl.BlockSpec((dhid, d2), fixed),
        ],
        out_specs=pl.BlockSpec((R, d2), row),
        out_shape=jax.ShapeDtypeStruct((n, d2), jnp.float32),
    )(a10, a11, h1p, deg32, b1r, W2p)

    zo2 = jnp.zeros((n_pad, d2), jnp.float32)
    agg2 = _make_agg(n_pad, d2, nchunk, k)(src, dst, h2p, zo2)
    a20, a21 = agg2[0], agg2[1]

    zfull, z = pl.pallas_call(
        _make_z_body(dout),
        grid=grid,
        in_specs=[
            pl.BlockSpec((R, d2), row),
            pl.BlockSpec((R, d2), row),
            pl.BlockSpec((R, d2), row),
            dspec,
            pl.BlockSpec((1, d2), fixed),
        ],
        out_specs=[pl.BlockSpec((R, d2), row), pl.BlockSpec((R, dout), row)],
        out_shape=[jax.ShapeDtypeStruct((n, d2), jnp.float32),
                   jax.ShapeDtypeStruct((n, dout), jnp.float32)],
    )(a20, a21, h2p, deg32, b2p)

    BRI, BRJ = 1024, 4096
    adj = pl.pallas_call(
        _dec_body,
        grid=(pl.cdiv(n, BRI), pl.cdiv(n, BRJ)),
        in_specs=[
            pl.BlockSpec((BRI, d2), lambda i, j: (i, 0)),
            pl.BlockSpec((BRJ, d2), lambda i, j: (j, 0)),
        ],
        out_specs=pl.BlockSpec((BRI, BRJ), lambda i, j: (i, j)),
        out_shape=jax.ShapeDtypeStruct((n, n), jnp.float32),
    )(zfull, zfull)

    return (adj, z)

# --- scband reference (transcript-rebuilt; emitter-appended) ---
"""Pipeline reference for scband-link-pred-net-51513837748919 (READ-ONLY COPY).

The authoritative reference and input builder live on the scoring server;
editing this copy changes nothing except your own understanding.
"""

import jax, jax.numpy as jnp
import numpy as np

N = 10000
E = 320000
D_IN = 128
D_HID = 128
D_OUT = 64


def setup_inputs(seed: int = 0) -> dict:
    key = jax.random.key(seed)
    k1, k2, k3, k4, k5, k6, k7 = jax.random.split(key, 7)
    x = jax.random.normal(k1, (N, D_IN), dtype=jnp.float32)
    edge_index = jax.random.randint(k2, (2, E), 0, N, dtype=jnp.int32)
    W1 = jax.random.normal(k3, (D_IN, D_HID), dtype=jnp.float32) * (1.0 / np.sqrt(D_IN))
    b1 = jnp.zeros((D_HID,), dtype=jnp.float32)
    W2 = jax.random.normal(k4, (D_HID, D_OUT), dtype=jnp.float32) * (1.0 / np.sqrt(D_HID))
    b2 = jnp.zeros((D_OUT,), dtype=jnp.float32)
    return {"x": x, "edge_index": edge_index, "W1": W1, "b1": b1, "W2": W2, "b2": b2}


def gcn_conv(x, edge_index, W, b):
    # GCNConv: out = D^{-1/2} (A + I) D^{-1/2} (x W) + b
    n = x.shape[0]
    loop = jnp.arange(n, dtype=edge_index.dtype)
    src = jnp.concatenate([edge_index[0], loop])
    dst = jnp.concatenate([edge_index[1], loop])
    deg = jnp.zeros((n,), dtype=jnp.float32).at[dst].add(1.0)
    dinv = jnp.where(deg > 0, 1.0 / jnp.sqrt(deg), 0.0)
    norm = dinv[src] * dinv[dst]
    h = x @ W
    msg = h[src] * norm[:, None]
    out = jnp.zeros((n, W.shape[1]), dtype=h.dtype).at[dst].add(msg)
    return out + b


def reference(x, edge_index, W1, b1, W2, b2):
    h = jax.nn.relu(gcn_conv(x, edge_index, W1, b1))
    z = gcn_conv(h, edge_index, W2, b2)
    adj_pred = jax.nn.sigmoid(z @ z.T)
    return (adj_pred, z)

if __name__ == "__main__":
    import jax
    _d = setup_inputs()
    print(jax.jit(kernel)(*tuple(_d.values())))

</pallas_src>

<mosaic_0001>
#map = affine_map<(d0, d1) -> (0)>
#map1 = affine_map<(d0, d1) -> (0, 0, 0)>
#map2 = affine_map<(d0, d1) -> (0, 0)>
module attributes {stable_mosaic.version = 14 : i64} {
  func.func @agg(%arg0: i32, %arg1: i32, %arg2: memref<320000xi32, #tpu.memory_space<hbm>>, %arg3: memref<32x125x80xi32, #tpu.memory_space<hbm>>, %arg4: memref<10000x128xf32, #tpu.memory_space<hbm>>, %arg5: memref<10112x128xf32, #tpu.memory_space<hbm>>, %arg6: memref<2x10112x128xf32, #tpu.memory_space<hbm>>, %arg7: memref<125x80xi32, #tpu.memory_space<vmem>>, %arg8: memref<80xi32, #tpu.memory_space<vmem>>, %arg9: memref<80xi32, #tpu.memory_space<vmem>>, %arg10: memref<80xi32, #tpu.memory_space<vmem>>, %arg11: memref<80x128xf32, #tpu.memory_space<vmem>>, %arg12: memref<80x128xf32, #tpu.memory_space<vmem>>, %arg13: memref<80x128xf32, #tpu.memory_space<vmem>>, %arg14: memref<10112x128xf32, #tpu.memory_space<vmem_shared>>, %arg15: memref<!tpu.dma_semaphore, #tpu.memory_space<semaphore_mem>>, %arg16: memref<!tpu.dma_semaphore, #tpu.memory_space<semaphore_mem>>, %arg17: memref<!tpu.dma_semaphore, #tpu.memory_space<semaphore_mem>>, %arg18: memref<!tpu.dma_semaphore, #tpu.memory_space<semaphore_mem>>, %arg19: memref<!tpu.dma_semaphore, #tpu.memory_space<semaphore_mem>>, %arg20: memref<!tpu.dma_semaphore, #tpu.memory_space<semaphore_mem>>) attributes {dimension_semantics = [#tpu.dimension_semantics<core_parallel>, #tpu.dimension_semantics<subcore_parallel>], iteration_bounds = array<i64: 2, 16>, scalar_prefetch = 0 : i64, scratch_operands = 14 : i64, tpu.core_type = #tpu.core_type<sc_vector_subcore>, window_params = [{transform_indices = #map}, {transform_indices = #map1}, {transform_indices = #map2}, {transform_indices = #map2}, {transform_indices = #map1}]} {
    %mul3A = arith.constant 2 : i32
    %mul3A_0 = arith.muli %arg1, %mul3A : i32
    %add3A = arith.addi %mul3A_0, %arg0 : i32
    %mul3A_1 = arith.constant 632 : i32
    %mul3A_2 = arith.muli %arg1, %mul3A_1 : i32
    %mul3A_3 = arith.constant 10000 : i32
    %mul3A_4 = arith.muli %add3A, %mul3A_3 : i32
    "tpu.region"() ({
      %run_scoped3A_34 = tpu.sem_alloc : memref<!tpu.dma_semaphore, #tpu.memory_space<semaphore_mem>>
      %dma_start3A_35 = arith.constant 0 : i32
      %dma_start3A_36 = tpu.memref_slice %arg14[%mul3A_2, %dma_start3A_35] : memref<10112x128xf32, #tpu.memory_space<vmem_shared>> -> memref<632x128xf32, #tpu.memory_space<vmem_shared>>
      %dma_start3A_37 = arith.constant 0 : i32
      %dma_start3A_38 = tpu.memref_slice %arg5[%mul3A_2, %dma_start3A_37] : memref<10112x128xf32, #tpu.memory_space<hbm>> -> memref<632x128xf32, #tpu.memory_space<hbm>>
      tpu.enqueue_dma source(%dma_start3A_38 : memref<632x128xf32, #tpu.memory_space<hbm>>) target(%dma_start3A_36 : memref<632x128xf32, #tpu.memory_space<vmem_shared>>) target_semaphore(%run_scoped3A_34 : memref<!tpu.dma_semaphore, #tpu.memory_space<semaphore_mem>>)
      %dma_wait3A_39 = arith.constant 0 : i32
      %dma_wait3A_40 = tpu.memref_slice %arg14[%mul3A_2, %dma_wait3A_39] : memref<10112x128xf32, #tpu.memory_space<vmem_shared>> -> memref<632x128xf32, #tpu.memory_space<vmem_shared>>
      %dma_wait3A_41 = arith.constant 0 : i32
      %dma_wait3A_42 = tpu.memref_slice %arg5[%mul3A_2, %dma_wait3A_41] : memref<10112x128xf32, #tpu.memory_space<hbm>> -> memref<632x128xf32, #tpu.memory_space<hbm>>
      tpu.wait_dma2 semaphore(%run_scoped3A_34 : memref<!tpu.dma_semaphore, #tpu.memory_space<semaphore_mem>>) src(%dma_wait3A_42 : memref<632x128xf32, #tpu.memory_space<hbm>>) dst(%dma_wait3A_40 : memref<632x128xf32, #tpu.memory_space<vmem_shared>>)
      tpu.yield
    }) : () -> ()
    "tpu.region"() ({
      %run_scoped3A_34 = tpu.sem_alloc : memref<!tpu.dma_semaphore, #tpu.memory_space<semaphore_mem>>
      %dma_start3A_35 = arith.constant 0 : i32
      %dma_start3A_36 = arith.constant 0 : i32
      %dma_start3A_37 = tpu.memref_slice %arg3[%add3A, %dma_start3A_35, %dma_start3A_36] : memref<32x125x80xi32, #tpu.memory_space<hbm>> -> memref<1x125x80xi32, #tpu.memory_space<hbm>>
      %dma_start3A_38 = tpu.memref_squeeze %dma_start3A_37 : memref<1x125x80xi32, #tpu.memory_space<hbm>> -> memref<125x80xi32, #tpu.memory_space<hbm>>
      %dma_start3A_39 = arith.constant 0 : i32
      %dma_start3A_40 = arith.constant 0 : i32
      %dma_start3A_41 = tpu.memref_slice %arg3[%add3A, %dma_start3A_39, %dma_start3A_40] : memref<32x125x80xi32, #tpu.memory_space<hbm>> -> memref<1x125x80xi32, #tpu.memory_space<hbm>>
      %dma_start3A_42 = tpu.memref_squeeze %dma_start3A_41 : memref<1x125x80xi32, #tpu.memory_space<hbm>> -> memref<125x80xi32, #tpu.memory_space<hbm>>
      tpu.enqueue_dma source(%dma_start3A_42 : memref<125x80xi32, #tpu.memory_space<hbm>>) target(%arg7 : memref<125x80xi32, #tpu.memory_space<vmem>>) target_semaphore(%run_scoped3A_34 : memref<!tpu.dma_semaphore, #tpu.memory_space<semaphore_mem>>)
      %dma_wait3A_43 = arith.constant 0 : i32
      %dma_wait3A_44 = arith.constant 0 : i32
      %dma_wait3A_45 = tpu.memref_slice %arg3[%add3A, %dma_wait3A_43, %dma_wait3A_44] : memref<32x125x80xi32, #tpu.memory_space<hbm>> -> memref<1x125x80xi32, #tpu.memory_space<hbm>>
      %dma_wait3A_46 = tpu.memref_squeeze %dma_wait3A_45 : memref<1x125x80xi32, #tpu.memory_space<hbm>> -> memref<125x80xi32, #tpu.memory_space<hbm>>
      %dma_wait3A_47 = arith.constant 0 : i32
      %dma_wait3A_48 = arith.constant 0 : i32
      %dma_wait3A_49 = tpu.memref_slice %arg3[%add3A, %dma_wait3A_47, %dma_wait3A_48] : memref<32x125x80xi32, #tpu.memory_space<hbm>> -> memref<1x125x80xi32, #tpu.memory_space<hbm>>
      %dma_wait3A_50 = tpu.memref_squeeze %dma_wait3A_49 : memref<1x125x80xi32, #tpu.memory_space<hbm>> -> memref<125x80xi32, #tpu.memory_space<hbm>>
      tpu.wait_dma2 semaphore(%run_scoped3A_34 : memref<!tpu.dma_semaphore, #tpu.memory_space<semaphore_mem>>) src(%dma_wait3A_50 : memref<125x80xi32, #tpu.memory_space<hbm>>) dst(%arg7 : memref<125x80xi32, #tpu.memory_space<vmem>>)
      tpu.yield
    }) : () -> ()
    %barrier3A = arith.constant 0 : index
    tpu.barrier barrier_id(%barrier3A)
    %add3A_5 = arith.constant 0 : i32
    %add3A_6 = arith.addi %mul3A_4, %add3A_5 : i32
    "tpu.region"() ({
      %run_scoped3A_34 = tpu.sem_alloc : memref<!tpu.dma_semaphore, #tpu.memory_space<semaphore_mem>>
      %dma_start3A_35 = tpu.memref_slice %arg2[%add3A_6] : memref<320000xi32, #tpu.memory_space<hbm>> -> memref<80xi32, #tpu.memory_space<hbm>>
      %dma_start3A_36 = tpu.memref_slice %arg2[%add3A_6] : memref<320000xi32, #tpu.memory_space<hbm>> -> memref<80xi32, #tpu.memory_space<hbm>>
      tpu.enqueue_dma source(%dma_start3A_36 : memref<80xi32, #tpu.memory_space<hbm>>) target(%arg8 : memref<80xi32, #tpu.memory_space<vmem>>) target_semaphore(%run_scoped3A_34 : memref<!tpu.dma_semaphore, #tpu.memory_space<semaphore_mem>>)
      %dma_wait3A_37 = tpu.memref_slice %arg2[%add3A_6] : memref<320000xi32, #tpu.memory_space<hbm>> -> memref<80xi32, #tpu.memory_space<hbm>>
      %dma_wait3A_38 = tpu.memref_slice %arg2[%add3A_6] : memref<320000xi32, #tpu.memory_space<hbm>> -> memref<80xi32, #tpu.memory_space<hbm>>
      tpu.wait_dma2 semaphore(%run_scoped3A_34 : memref<!tpu.dma_semaphore, #tpu.memory_space<semaphore_mem>>) src(%dma_wait3A_38 : memref<80xi32, #tpu.memory_space<hbm>>) dst(%arg8 : memref<80xi32, #tpu.memory_space<vmem>>)
      tpu.yield
    }) : () -> ()
    %add3A_7 = arith.constant 80 : i32
    %add3A_8 = arith.addi %mul3A_4, %add3A_7 : i32
    "tpu.region"() ({
      %run_scoped3A_34 = tpu.sem_alloc : memref<!tpu.dma_semaphore, #tpu.memory_space<semaphore_mem>>
      %dma_start3A_35 = tpu.memref_slice %arg2[%add3A_8] : memref<320000xi32, #tpu.memory_space<hbm>> -> memref<80xi32, #tpu.memory_space<hbm>>
      %dma_start3A_36 = tpu.memref_slice %arg2[%add3A_8] : memref<320000xi32, #tpu.memory_space<hbm>> -> memref<80xi32, #tpu.memory_space<hbm>>
      tpu.enqueue_dma source(%dma_start3A_36 : memref<80xi32, #tpu.memory_space<hbm>>) target(%arg9 : memref<80xi32, #tpu.memory_space<vmem>>) target_semaphore(%run_scoped3A_34 : memref<!tpu.dma_semaphore, #tpu.memory_space<semaphore_mem>>)
      %dma_wait3A_37 = tpu.memref_slice %arg2[%add3A_8] : memref<320000xi32, #tpu.memory_space<hbm>> -> memref<80xi32, #tpu.memory_space<hbm>>
      %dma_wait3A_38 = tpu.memref_slice %arg2[%add3A_8] : memref<320000xi32, #tpu.memory_space<hbm>> -> memref<80xi32, #tpu.memory_space<hbm>>
      tpu.wait_dma2 semaphore(%run_scoped3A_34 : memref<!tpu.dma_semaphore, #tpu.memory_space<semaphore_mem>>) src(%dma_wait3A_38 : memref<80xi32, #tpu.memory_space<hbm>>) dst(%arg9 : memref<80xi32, #tpu.memory_space<vmem>>)
      tpu.yield
    }) : () -> ()
    %dma_start3A = arith.constant 0 : i32
    %dma_start3A_9 = arith.constant 0 : i32
    %dma_start3A_10 = tpu.memref_slice %arg4[%dma_start3A, %dma_start3A_9] : memref<10000x128xf32, #tpu.memory_space<hbm>> -> memref<10000x128xf32, #tpu.memory_space<hbm>>
    tpu.enqueue_indirect_dma source(%dma_start3A_10 : memref<10000x128xf32, #tpu.memory_space<hbm>>) target(%arg11 : memref<80x128xf32, #tpu.memory_space<vmem>>) offsets(%arg8 : memref<80xi32, #tpu.memory_space<vmem>>) semaphore(%arg15 : memref<!tpu.dma_semaphore, #tpu.memory_space<semaphore_mem>>)
    %dma_start3A_11 = arith.constant 0 : i32
    %dma_start3A_12 = arith.constant 0 : i32
    %dma_start3A_13 = tpu.memref_slice %arg4[%dma_start3A_11, %dma_start3A_12] : memref<10000x128xf32, #tpu.memory_space<hbm>> -> memref<10000x128xf32, #tpu.memory_space<hbm>>
    tpu.enqueue_indirect_dma source(%dma_start3A_13 : memref<10000x128xf32, #tpu.memory_space<hbm>>) target(%arg12 : memref<80x128xf32, #tpu.memory_space<vmem>>) offsets(%arg9 : memref<80xi32, #tpu.memory_space<vmem>>) semaphore(%arg16 : memref<!tpu.dma_semaphore, #tpu.memory_space<semaphore_mem>>)
    %add3A_14 = arith.constant 160 : i32
    %add3A_15 = arith.addi %mul3A_4, %add3A_14 : i32
    %dma_start3A_16 = tpu.memref_slice %arg2[%add3A_15] : memref<320000xi32, #tpu.memory_space<hbm>> -> memref<80xi32, #tpu.memory_space<hbm>>
    %dma_start3A_17 = tpu.memref_slice %arg2[%add3A_15] : memref<320000xi32, #tpu.memory_space<hbm>> -> memref<80xi32, #tpu.memory_space<hbm>>
    tpu.enqueue_dma source(%dma_start3A_17 : memref<80xi32, #tpu.memory_space<hbm>>) target(%arg10 : memref<80xi32, #tpu.memory_space<vmem>>) target_semaphore(%arg20 : memref<!tpu.dma_semaphore, #tpu.memory_space<semaphore_mem>>)
    %scan3A = arith.constant 0 : i32
    %scan3A_18 = arith.constant 0 : i32
    %scan3A_19 = arith.constant 41 : i32
    %scan3A_20 = arith.addi %scan3A_18, %scan3A_19 : i32
    %scan3A_21 = arith.constant 1 : i32
    scf.for %scan3A_34 = %scan3A_18 to %scan3A_20 step %scan3A_21  : i32 {
      %mul3A_35 = arith.constant 3 : i32
      %mul3A_36 = arith.muli %mul3A_35, %scan3A_34 : i32
      %add3A_37 = arith.constant 2 : i32
      %add3A_38 = arith.addi %mul3A_36, %add3A_37 : i32
      %mul3A_39 = arith.constant 80 : i32
      %mul3A_40 = arith.muli %add3A_38, %mul3A_39 : i32
      %add3A_41 = arith.addi %mul3A_4, %mul3A_40 : i32
      %dma_wait3A_42 = tpu.memref_slice %arg2[%add3A_41] : memref<320000xi32, #tpu.memory_space<hbm>> -> memref<80xi32, #tpu.memory_space<hbm>>
      %dma_wait3A_43 = tpu.memref_slice %arg2[%add3A_41] : memref<320000xi32, #tpu.memory_space<hbm>> -> memref<80xi32, #tpu.memory_space<hbm>>
      tpu.wait_dma2 semaphore(%arg20 : memref<!tpu.dma_semaphore, #tpu.memory_space<semaphore_mem>>) src(%dma_wait3A_43 : memref<80xi32, #tpu.memory_space<hbm>>) dst(%arg10 : memref<80xi32, #tpu.memory_space<vmem>>)
      %dma_wait3A_44 = arith.constant 0 : i32
      %dma_wait3A_45 = arith.constant 0 : i32
      %dma_wait3A_46 = tpu.memref_slice %arg4[%dma_wait3A_44, %dma_wait3A_45] : memref<10000x128xf32, #tpu.memory_space<hbm>> -> memref<10000x128xf32, #tpu.memory_space<hbm>>
      tpu.wait_indirect_dma semaphore(%arg15 : memref<!tpu.dma_semaphore, #tpu.memory_space<semaphore_mem>>) src(%dma_wait3A_46 : memref<10000x128xf32, #tpu.memory_space<hbm>>) dst(%arg11 : memref<80x128xf32, #tpu.memory_space<vmem>>)
      %dma_start3A_47 = arith.constant 0 : i32
      %dma_start3A_48 = arith.constant 0 : i32
      %dma_start3A_49 = tpu.memref_slice %arg4[%dma_start3A_47, %dma_start3A_48] : memref<10000x128xf32, #tpu.memory_space<hbm>> -> memref<10000x128xf32, #tpu.memory_space<hbm>>
      tpu.enqueue_indirect_dma source(%dma_start3A_49 : memref<10000x128xf32, #tpu.memory_space<hbm>>) target(%arg13 : memref<80x128xf32, #tpu.memory_space<vmem>>) offsets(%arg10 : memref<80xi32, #tpu.memory_space<vmem>>) semaphore(%arg17 : memref<!tpu.dma_semaphore, #tpu.memory_space<semaphore_mem>>)
      %add3A_50 = arith.constant 3 : i32
      %add3A_51 = arith.addi %mul3A_36, %add3A_50 : i32
      %mul3A_52 = arith.constant 80 : i32
      %mul3A_53 = arith.muli %add3A_51, %mul3A_52 : i32
      %add3A_54 = arith.addi %mul3A_4, %mul3A_53 : i32
      %dma_start3A_55 = tpu.memref_slice %arg2[%add3A_54] : memref<320000xi32, #tpu.memory_space<hbm>> -> memref<80xi32, #tpu.memory_space<hbm>>
      %dma_start3A_56 = tpu.memref_slice %arg2[%add3A_54] : memref<320000xi32, #tpu.memory_space<hbm>> -> memref<80xi32, #tpu.memory_space<hbm>>
      tpu.enqueue_dma source(%dma_start3A_56 : memref<80xi32, #tpu.memory_space<hbm>>) target(%arg8 : memref<80xi32, #tpu.memory_space<vmem>>) target_semaphore(%arg18 : memref<!tpu.dma_semaphore, #tpu.memory_space<semaphore_mem>>)
      "tpu.region"() ({
        %run_scoped3A_102 = tpu.sem_alloc : memref<!tpu.dma_semaphore, #tpu.memory_space<semaphore_mem>>
        %dma_start3A_103 = arith.constant 0 : i32
        %dma_start3A_104 = tpu.memref_slice %arg7[%mul3A_36, %dma_start3A_103] : memref<125x80xi32, #tpu.memory_space<vmem>> -> memref<1x80xi32, #tpu.memory_space<vmem>>
        %dma_start3A_105 = tpu.memref_squeeze %dma_start3A_104 : memref<1x80xi32, #tpu.memory_space<vmem>> -> memref<80xi32, #tpu.memory_space<vmem>>
        %dma_start3A_106 = arith.constant 0 : i32
        %dma_start3A_107 = arith.constant 0 : i32
        %dma_start3A_108 = tpu.memref_slice %arg14[%dma_start3A_106, %dma_start3A_107] : memref<10112x128xf32, #tpu.memory_space<vmem_shared>> -> memref<10112x128xf32, #tpu.memory_space<vmem_shared>>
        tpu.enqueue_indirect_dma source(%arg11 : memref<80x128xf32, #tpu.memory_space<vmem>>) target(%dma_start3A_108 : memref<10112x128xf32, #tpu.memory_space<vmem_shared>>) offsets(%dma_start3A_105 : memref<80xi32, #tpu.memory_space<vmem>>) semaphore(%run_scoped3A_102 : memref<!tpu.dma_semaphore, #tpu.memory_space<semaphore_mem>>) {add = true}
        %dma_wait3A_109 = arith.constant 0 : i32
        %dma_wait3A_110 = tpu.memref_slice %arg7[%mul3A_36, %dma_wait3A_109] : memref<125x80xi32, #tpu.memory_space<vmem>> -> memref<1x80xi32, #tpu.memory_space<vmem>>
        %dma_wait3A_111 = tpu.memref_squeeze %dma_wait3A_110 : memref<1x80xi32, #tpu.memory_space<vmem>> -> memref<80xi32, #tpu.memory_space<vmem>>
        %dma_wait3A_112 = arith.constant 0 : i32
        %dma_wait3A_113 = arith.constant 0 : i32
        %dma_wait3A_114 = tpu.memref_slice %arg14[%dma_wait3A_112, %dma_wait3A_113] : memref<10112x128xf32, #tpu.memory_space<vmem_shared>> -> memref<10112x128xf32, #tpu.memory_space<vmem_shared>>
        tpu.wait_indirect_dma semaphore(%run_scoped3A_102 : memref<!tpu.dma_semaphore, #tpu.memory_space<semaphore_mem>>) src(%arg11 : memref<80x128xf32, #tpu.memory_space<vmem>>) dst(%dma_wait3A_114 : memref<10112x128xf32, #tpu.memory_space<vmem_shared>>)
        tpu.yield
      }) : () -> ()
      %add3A_57 = arith.constant 3 : i32
      %add3A_58 = arith.addi %mul3A_36, %add3A_57 : i32
      %mul3A_59 = arith.constant 80 : i32
      %mul3A_60 = arith.muli %add3A_58, %mul3A_59 : i32
      %add3A_61 = arith.addi %mul3A_4, %mul3A_60 : i32
      %dma_wait3A_62 = tpu.memref_slice %arg2[%add3A_61] : memref<320000xi32, #tpu.memory_space<hbm>> -> memref<80xi32, #tpu.memory_space<hbm>>
      %dma_wait3A_63 = tpu.memref_slice %arg2[%add3A_61] : memref<320000xi32, #tpu.memory_space<hbm>> -> memref<80xi32, #tpu.memory_space<hbm>>
      tpu.wait_dma2 semaphore(%arg18 : memref<!tpu.dma_semaphore, #tpu.memory_space<semaphore_mem>>) src(%dma_wait3A_63 : memref<80xi32, #tpu.memory_space<hbm>>) dst(%arg8 : memref<80xi32, #tpu.memory_space<vmem>>)
      %dma_wait3A_64 = arith.constant 0 : i32
      %dma_wait3A_65 = arith.constant 0 : i32
      %dma_wait3A_66 = tpu.memref_slice %arg4[%dma_wait3A_64, %dma_wait3A_65] : memref<10000x128xf32, #tpu.memory_space<hbm>> -> memref<10000x128xf32, #tpu.memory_space<hbm>>
      tpu.wait_indirect_dma semaphore(%arg16 : memref<!tpu.dma_semaphore, #tpu.memory_space<semaphore_mem>>) src(%dma_wait3A_66 : memref<10000x128xf32, #tpu.memory_space<hbm>>) dst(%arg12 : memref<80x128xf32, #tpu.memory_space<vmem>>)
      %dma_start3A_67 = arith.constant 0 : i32
      %dma_start3A_68 = arith.constant 0 : i32
      %dma_start3A_69 = tpu.memref_slice %arg4[%dma_start3A_67, %dma_start3A_68] : memref<10000x128xf32, #tpu.memory_space<hbm>> -> memref<10000x128xf32, #tpu.memory_space<hbm>>
      tpu.enqueue_indirect_dma source(%dma_start3A_69 : memref<10000x128xf32, #tpu.memory_space<hbm>>) target(%arg11 : memref<80x128xf32, #tpu.memory_space<vmem>>) offsets(%arg8 : memref<80xi32, #tpu.memory_space<vmem>>) semaphore(%arg15 : memref<!tpu.dma_semaphore, #tpu.memory_space<semaphore_mem>>)
      %add3A_70 = arith.constant 4 : i32
      %add3A_71 = arith.addi %mul3A_36, %add3A_70 : i32
      %mul3A_72 = arith.constant 80 : i32
      %mul3A_73 = arith.muli %add3A_71, %mul3A_72 : i32
      %add3A_74 = arith.addi %mul3A_4, %mul3A_73 : i32
      %dma_start3A_75 = tpu.memref_slice %arg2[%add3A_74] : memref<320000xi32, #tpu.memory_space<hbm>> -> memref<80xi32, #tpu.memory_space<hbm>>
      %dma_start3A_76 = tpu.memref_slice %arg2[%add3A_74] : memref<320000xi32, #tpu.memory_space<hbm>> -> memref<80xi32, #tpu.memory_space<hbm>>
      tpu.enqueue_dma source(%dma_start3A_76 : memref<80xi32, #tpu.memory_space<hbm>>) target(%arg9 : memref<80xi32, #tpu.memory_space<vmem>>) target_semaphore(%arg19 : memref<!tpu.dma_semaphore, #tpu.memory_space<semaphore_mem>>)
      %add3A_77 = arith.constant 1 : i32
      %add3A_78 = arith.addi %mul3A_36, %add3A_77 : i32
      "tpu.region"() ({
        %run_scoped3A_102 = tpu.sem_alloc : memref<!tpu.dma_semaphore, #tpu.memory_space<semaphore_mem>>
        %dma_start3A_103 = arith.constant 0 : i32
        %dma_start3A_104 = tpu.memref_slice %arg7[%add3A_78, %dma_start3A_103] : memref<125x80xi32, #tpu.memory_space<vmem>> -> memref<1x80xi32, #tpu.memory_space<vmem>>
        %dma_start3A_105 = tpu.memref_squeeze %dma_start3A_104 : memref<1x80xi32, #tpu.memory_space<vmem>> -> memref<80xi32, #tpu.memory_space<vmem>>
        %dma_start3A_106 = arith.constant 0 : i32
        %dma_start3A_107 = arith.constant 0 : i32
        %dma_start3A_108 = tpu.memref_slice %arg14[%dma_start3A_106, %dma_start3A_107] : memref<10112x128xf32, #tpu.memory_space<vmem_shared>> -> memref<10112x128xf32, #tpu.memory_space<vmem_shared>>
        tpu.enqueue_indirect_dma source(%arg12 : memref<80x128xf32, #tpu.memory_space<vmem>>) target(%dma_start3A_108 : memref<10112x128xf32, #tpu.memory_space<vmem_shared>>) offsets(%dma_start3A_105 : memref<80xi32, #tpu.memory_space<vmem>>) semaphore(%run_scoped3A_102 : memref<!tpu.dma_semaphore, #tpu.memory_space<semaphore_mem>>) {add = true}
        %dma_wait3A_109 = arith.constant 0 : i32
        %dma_wait3A_110 = tpu.memref_slice %arg7[%add3A_78, %dma_wait3A_109] : memref<125x80xi32, #tpu.memory_space<vmem>> -> memref<1x80xi32, #tpu.memory_space<vmem>>
        %dma_wait3A_111 = tpu.memref_squeeze %dma_wait3A_110 : memref<1x80xi32, #tpu.memory_space<vmem>> -> memref<80xi32, #tpu.memory_space<vmem>>
        %dma_wait3A_112 = arith.constant 0 : i32
        %dma_wait3A_113 = arith.constant 0 : i32
        %dma_wait3A_114 = tpu.memref_slice %arg14[%dma_wait3A_112, %dma_wait3A_113] : memref<10112x128xf32, #tpu.memory_space<vmem_shared>> -> memref<10112x128xf32, #tpu.memory_space<vmem_shared>>
        tpu.wait_indirect_dma semaphore(%run_scoped3A_102 : memref<!tpu.dma_semaphore, #tpu.memory_space<semaphore_mem>>) src(%arg12 : memref<80x128xf32, #tpu.memory_space<vmem>>) dst(%dma_wait3A_114 : memref<10112x128xf32, #tpu.memory_space<vmem_shared>>)
        tpu.yield
      }) : () -> ()
      %add3A_79 = arith.constant 4 : i32
      %add3A_80 = arith.addi %mul3A_36, %add3A_79 : i32
      %mul3A_81 = arith.constant 80 : i32
      %mul3A_82 = arith.muli %add3A_80, %mul3A_81 : i32
      %add3A_83 = arith.addi %mul3A_4, %mul3A_82 : i32
      %dma_wait3A_84 = tpu.memref_slice %arg2[%add3A_83] : memref<320000xi32, #tpu.memory_space<hbm>> -> memref<80xi32, #tpu.memory_space<hbm>>
      %dma_wait3A_85 = tpu.memref_slice %arg2[%add3A_83] : memref<320000xi32, #tpu.memory_space<hbm>> -> memref<80xi32, #tpu.memory_space<hbm>>
      tpu.wait_dma2 semaphore(%arg19 : memref<!tpu.dma_semaphore, #tpu.memory_space<semaphore_mem>>) src(%dma_wait3A_85 : memref<80xi32, #tpu.memory_space<hbm>>) dst(%arg9 : memref<80xi32, #tpu.memory_space<vmem>>)
      %dma_wait3A_86 = arith.constant 0 : i32
      %dma_wait3A_87 = arith.constant 0 : i32
      %dma_wait3A_88 = tpu.memref_slice %arg4[%dma_wait3A_86, %dma_wait3A_87] : memref<10000x128xf32, #tpu.memory_space<hbm>> -> memref<10000x128xf32, #tpu.memory_space<hbm>>
      tpu.wait_indirect_dma semaphore(%arg17 : memref<!tpu.dma_semaphore, #tpu.memory_space<semaphore_mem>>) src(%dma_wait3A_88 : memref<10000x128xf32, #tpu.memory_space<hbm>>) dst(%arg13 : memref<80x128xf32, #tpu.memory_space<vmem>>)
      %dma_start3A_89 = arith.constant 0 : i32
      %dma_start3A_90 = arith.constant 0 : i32
      %dma_start3A_91 = tpu.memref_slice %arg4[%dma_start3A_89, %dma_start3A_90] : memref<10000x128xf32, #tpu.memory_space<hbm>> -> memref<10000x128xf32, #tpu.memory_space<hbm>>
      tpu.enqueue_indirect_dma source(%dma_start3A_91 : memref<10000x128xf32, #tpu.memory_space<hbm>>) target(%arg12 : memref<80x128xf32, #tpu.memory_space<vmem>>) offsets(%arg9 : memref<80xi32, #tpu.memory_space<vmem>>) semaphore(%arg16 : memref<!tpu.dma_semaphore, #tpu.memory_space<semaphore_mem>>)
      %add3A_92 = arith.constant 5 : i32
      %add3A_93 = arith.addi %mul3A_36, %add3A_92 : i32
      %min3A = arith.constant 124 : i32
      %min3A_94 = arith.minsi %add3A_93, %min3A : i32
      %mul3A_95 = arith.constant 80 : i32
      %mul3A_96 = arith.muli %min3A_94, %mul3A_95 : i32
      %add3A_97 = arith.addi %mul3A_4, %mul3A_96 : i32
      %dma_start3A_98 = tpu.memref_slice %arg2[%add3A_97] : memref<320000xi32, #tpu.memory_space<hbm>> -> memref<80xi32, #tpu.memory_space<hbm>>
      %dma_start3A_99 = tpu.memref_slice %arg2[%add3A_97] : memref<320000xi32, #tpu.memory_space<hbm>> -> memref<80xi32, #tpu.memory_space<hbm>>
      tpu.enqueue_dma source(%dma_start3A_99 : memref<80xi32, #tpu.memory_space<hbm>>) target(%arg10 : memref<80xi32, #tpu.memory_space<vmem>>) target_semaphore(%arg20 : memref<!tpu.dma_semaphore, #tpu.memory_space<semaphore_mem>>)
      %add3A_100 = arith.constant 2 : i32
      %add3A_101 = arith.addi %mul3A_36, %add3A_100 : i32
      "tpu.region"() ({
        %run_scoped3A_102 = tpu.sem_alloc : memref<!tpu.dma_semaphore, #tpu.memory_space<semaphore_mem>>
        %dma_start3A_103 = arith.constant 0 : i32
        %dma_start3A_104 = tpu.memref_slice %arg7[%add3A_101, %dma_start3A_103] : memref<125x80xi32, #tpu.memory_space<vmem>> -> memref<1x80xi32, #tpu.memory_space<vmem>>
        %dma_start3A_105 = tpu.memref_squeeze %dma_start3A_104 : memref<1x80xi32, #tpu.memory_space<vmem>> -> memref<80xi32, #tpu.memory_space<vmem>>
        %dma_start3A_106 = arith.constant 0 : i32
        %dma_start3A_107 = arith.constant 0 : i32
        %dma_start3A_108 = tpu.memref_slice %arg14[%dma_start3A_106, %dma_start3A_107] : memref<10112x128xf32, #tpu.memory_space<vmem_shared>> -> memref<10112x128xf32, #tpu.memory_space<vmem_shared>>
        tpu.enqueue_indirect_dma source(%arg13 : memref<80x128xf32, #tpu.memory_space<vmem>>) target(%dma_start3A_108 : memref<10112x128xf32, #tpu.memory_space<vmem_shared>>) offsets(%dma_start3A_105 : memref<80xi32, #tpu.memory_space<vmem>>) semaphore(%run_scoped3A_102 : memref<!tpu.dma_semaphore, #tpu.memory_space<semaphore_mem>>) {add = true}
        %dma_wait3A_109 = arith.constant 0 : i32
        %dma_wait3A_110 = tpu.memref_slice %arg7[%add3A_101, %dma_wait3A_109] : memref<125x80xi32, #tpu.memory_space<vmem>> -> memref<1x80xi32, #tpu.memory_space<vmem>>
        %dma_wait3A_111 = tpu.memref_squeeze %dma_wait3A_110 : memref<1x80xi32, #tpu.memory_space<vmem>> -> memref<80xi32, #tpu.memory_space<vmem>>
        %dma_wait3A_112 = arith.constant 0 : i32
        %dma_wait3A_113 = arith.constant 0 : i32
        %dma_wait3A_114 = tpu.memref_slice %arg14[%dma_wait3A_112, %dma_wait3A_113] : memref<10112x128xf32, #tpu.memory_space<vmem_shared>> -> memref<10112x128xf32, #tpu.memory_space<vmem_shared>>
        tpu.wait_indirect_dma semaphore(%run_scoped3A_102 : memref<!tpu.dma_semaphore, #tpu.memory_space<semaphore_mem>>) src(%arg13 : memref<80x128xf32, #tpu.memory_space<vmem>>) dst(%dma_wait3A_114 : memref<10112x128xf32, #tpu.memory_space<vmem_shared>>)
        tpu.yield
      }) : () -> ()
    }
    %scan3A_22 = arith.constant 41 : i32
    %dma_wait3A = arith.constant 0 : i32
    %dma_wait3A_23 = arith.constant 0 : i32
    %dma_wait3A_24 = tpu.memref_slice %arg4[%dma_wait3A, %dma_wait3A_23] : memref<10000x128xf32, #tpu.memory_space<hbm>> -> memref<10000x128xf32, #tpu.memory_space<hbm>>
    tpu.wait_indirect_dma semaphore(%arg15 : memref<!tpu.dma_semaphore, #tpu.memory_space<semaphore_mem>>) src(%dma_wait3A_24 : memref<10000x128xf32, #tpu.memory_space<hbm>>) dst(%arg11 : memref<80x128xf32, #tpu.memory_space<vmem>>)
    %run_scoped3A = arith.constant 123 : i32
    "tpu.region"() ({
      %run_scoped3A_34 = tpu.sem_alloc : memref<!tpu.dma_semaphore, #tpu.memory_space<semaphore_mem>>
      %dma_start3A_35 = arith.constant 0 : i32
      %dma_start3A_36 = tpu.memref_slice %arg7[%run_scoped3A, %dma_start3A_35] : memref<125x80xi32, #tpu.memory_space<vmem>> -> memref<1x80xi32, #tpu.memory_space<vmem>>
      %dma_start3A_37 = tpu.memref_squeeze %dma_start3A_36 : memref<1x80xi32, #tpu.memory_space<vmem>> -> memref<80xi32, #tpu.memory_space<vmem>>
      %dma_start3A_38 = arith.constant 0 : i32
      %dma_start3A_39 = arith.constant 0 : i32
      %dma_start3A_40 = tpu.memref_slice %arg14[%dma_start3A_38, %dma_start3A_39] : memref<10112x128xf32, #tpu.memory_space<vmem_shared>> -> memref<10112x128xf32, #tpu.memory_space<vmem_shared>>
      tpu.enqueue_indirect_dma source(%arg11 : memref<80x128xf32, #tpu.memory_space<vmem>>) target(%dma_start3A_40 : memref<10112x128xf32, #tpu.memory_space<vmem_shared>>) offsets(%dma_start3A_37 : memref<80xi32, #tpu.memory_space<vmem>>) semaphore(%run_scoped3A_34 : memref<!tpu.dma_semaphore, #tpu.memory_space<semaphore_mem>>) {add = true}
      %dma_wait3A_41 = arith.constant 0 : i32
      %dma_wait3A_42 = tpu.memref_slice %arg7[%run_scoped3A, %dma_wait3A_41] : memref<125x80xi32, #tpu.memory_space<vmem>> -> memref<1x80xi32, #tpu.memory_space<vmem>>
      %dma_wait3A_43 = tpu.memref_squeeze %dma_wait3A_42 : memref<1x80xi32, #tpu.memory_space<vmem>> -> memref<80xi32, #tpu.memory_space<vmem>>
      %dma_wait3A_44 = arith.constant 0 : i32
      %dma_wait3A_45 = arith.constant 0 : i32
      %dma_wait3A_46 = tpu.memref_slice %arg14[%dma_wait3A_44, %dma_wait3A_45] : memref<10112x128xf32, #tpu.memory_space<vmem_shared>> -> memref<10112x128xf32, #tpu.memory_space<vmem_shared>>
      tpu.wait_indirect_dma semaphore(%run_scoped3A_34 : memref<!tpu.dma_semaphore, #tpu.memory_space<semaphore_mem>>) src(%arg11 : memref<80x128xf32, #tpu.memory_space<vmem>>) dst(%dma_wait3A_46 : memref<10112x128xf32, #tpu.memory_space<vmem_shared>>)
      tpu.yield
    }) : () -> ()
    %dma_wait3A_25 = arith.constant 0 : i32
    %dma_wait3A_26 = arith.constant 0 : i32
    %dma_wait3A_27 = tpu.memref_slice %arg4[%dma_wait3A_25, %dma_wait3A_26] : memref<10000x128xf32, #tpu.memory_space<hbm>> -> memref<10000x128xf32, #tpu.memory_space<hbm>>
    tpu.wait_indirect_dma semaphore(%arg16 : memref<!tpu.dma_semaphore, #tpu.memory_space<semaphore_mem>>) src(%dma_wait3A_27 : memref<10000x128xf32, #tpu.memory_space<hbm>>) dst(%arg12 : memref<80x128xf32, #tpu.memory_space<vmem>>)
    %add3A_28 = arith.constant 9920 : i32
    %add3A_29 = arith.addi %mul3A_4, %add3A_28 : i32
    %dma_wait3A_30 = tpu.memref_slice %arg2[%add3A_29] : memref<320000xi32, #tpu.memory_space<hbm>> -> memref<80xi32, #tpu.memory_space<hbm>>
    %dma_wait3A_31 = tpu.memref_slice %arg2[%add3A_29] : memref<320000xi32, #tpu.memory_space<hbm>> -> memref<80xi32, #tpu.memory_space<hbm>>
    tpu.wait_dma2 semaphore(%arg20 : memref<!tpu.dma_semaphore, #tpu.memory_space<semaphore_mem>>) src(%dma_wait3A_31 : memref<80xi32, #tpu.memory_space<hbm>>) dst(%arg10 : memref<80xi32, #tpu.memory_space<vmem>>)
    %run_scoped3A_32 = arith.constant 124 : i32
    "tpu.region"() ({
      %run_scoped3A_34 = tpu.sem_alloc : memref<!tpu.dma_semaphore, #tpu.memory_space<semaphore_mem>>
      %dma_start3A_35 = arith.constant 0 : i32
      %dma_start3A_36 = tpu.memref_slice %arg7[%run_scoped3A_32, %dma_start3A_35] : memref<125x80xi32, #tpu.memory_space<vmem>> -> memref<1x80xi32, #tpu.memory_space<vmem>>
      %dma_start3A_37 = tpu.memref_squeeze %dma_start3A_36 : memref<1x80xi32, #tpu.memory_space<vmem>> -> memref<80xi32, #tpu.memory_space<vmem>>
      %dma_start3A_38 = arith.constant 0 : i32
      %dma_start3A_39 = arith.constant 0 : i32
      %dma_start3A_40 = tpu.memref_slice %arg14[%dma_start3A_38, %dma_start3A_39] : memref<10112x128xf32, #tpu.memory_space<vmem_shared>> -> memref<10112x128xf32, #tpu.memory_space<vmem_shared>>
      tpu.enqueue_indirect_dma source(%arg12 : memref<80x128xf32, #tpu.memory_space<vmem>>) target(%dma_start3A_40 : memref<10112x128xf32, #tpu.memory_space<vmem_shared>>) offsets(%dma_start3A_37 : memref<80xi32, #tpu.memory_space<vmem>>) semaphore(%run_scoped3A_34 : memref<!tpu.dma_semaphore, #tpu.memory_space<semaphore_mem>>) {add = true}
      %dma_wait3A_41 = arith.constant 0 : i32
      %dma_wait3A_42 = tpu.memref_slice %arg7[%run_scoped3A_32, %dma_wait3A_41] : memref<125x80xi32, #tpu.memory_space<vmem>> -> memref<1x80xi32, #tpu.memory_space<vmem>>
      %dma_wait3A_43 = tpu.memref_squeeze %dma_wait3A_42 : memref<1x80xi32, #tpu.memory_space<vmem>> -> memref<80xi32, #tpu.memory_space<vmem>>
      %dma_wait3A_44 = arith.constant 0 : i32
      %dma_wait3A_45 = arith.constant 0 : i32
      %dma_wait3A_46 = tpu.memref_slice %arg14[%dma_wait3A_44, %dma_wait3A_45] : memref<10112x128xf32, #tpu.memory_space<vmem_shared>> -> memref<10112x128xf32, #tpu.memory_space<vmem_shared>>
      tpu.wait_indirect_dma semaphore(%run_scoped3A_34 : memref<!tpu.dma_semaphore, #tpu.memory_space<semaphore_mem>>) src(%arg12 : memref<80x128xf32, #tpu.memory_space<vmem>>) dst(%dma_wait3A_46 : memref<10112x128xf32, #tpu.memory_space<vmem_shared>>)
      tpu.yield
    }) : () -> ()
    %barrier3A_33 = arith.constant 0 : index
    tpu.barrier barrier_id(%barrier3A_33)
    "tpu.region"() ({
      %run_scoped3A_34 = tpu.sem_alloc : memref<!tpu.dma_semaphore, #tpu.memory_space<semaphore_mem>>
      %dma_start3A_35 = arith.constant 0 : i32
      %dma_start3A_36 = tpu.memref_slice %arg6[%arg0, %mul3A_2, %dma_start3A_35] : memref<2x10112x128xf32, #tpu.memory_space<hbm>> -> memref<1x632x128xf32, #tpu.memory_space<hbm>>
      %dma_start3A_37 = tpu.memref_squeeze %dma_start3A_36 : memref<1x632x128xf32, #tpu.memory_space<hbm>> -> memref<632x128xf32, #tpu.memory_space<hbm>>
      %dma_start3A_38 = arith.constant 0 : i32
      %dma_start3A_39 = tpu.memref_slice %arg14[%mul3A_2, %dma_start3A_38] : memref<10112x128xf32, #tpu.memory_space<vmem_shared>> -> memref<632x128xf32, #tpu.memory_space<vmem_shared>>
      tpu.enqueue_dma source(%dma_start3A_39 : memref<632x128xf32, #tpu.memory_space<vmem_shared>>) target(%dma_start3A_37 : memref<632x128xf32, #tpu.memory_space<hbm>>) target_semaphore(%run_scoped3A_34 : memref<!tpu.dma_semaphore, #tpu.memory_space<semaphore_mem>>)
      %dma_wait3A_40 = arith.constant 0 : i32
      %dma_wait3A_41 = tpu.memref_slice %arg6[%arg0, %mul3A_2, %dma_wait3A_40] : memref<2x10112x128xf32, #tpu.memory_space<hbm>> -> memref<1x632x128xf32, #tpu.memory_space<hbm>>
      %dma_wait3A_42 = tpu.memref_squeeze %dma_wait3A_41 : memref<1x632x128xf32, #tpu.memory_space<hbm>> -> memref<632x128xf32, #tpu.memory_space<hbm>>
      %dma_wait3A_43 = arith.constant 0 : i32
      %dma_wait3A_44 = tpu.memref_slice %arg14[%mul3A_2, %dma_wait3A_43] : memref<10112x128xf32, #tpu.memory_space<vmem_shared>> -> memref<632x128xf32, #tpu.memory_space<vmem_shared>>
      tpu.wait_dma2 semaphore(%run_scoped3A_34 : memref<!tpu.dma_semaphore, #tpu.memory_space<semaphore_mem>>) src(%dma_wait3A_44 : memref<632x128xf32, #tpu.memory_space<vmem_shared>>) dst(%dma_wait3A_42 : memref<632x128xf32, #tpu.memory_space<hbm>>)
      tpu.yield
    }) : () -> ()
    return
  }
}

#map = affine_map<(d0, d1) -> (0)>
#map1 = affine_map<(d0, d1) -> (0, 0, 0)>
module attributes {stable_mosaic.version = 14 : i64} {
  func.func @deg(%arg0: i32, %arg1: i32, %arg2: memref<320000xi32, #tpu.memory_space<hbm>>, %arg3: memref<10112xf32, #tpu.memory_space<hbm>>, %arg4: memref<32x1x10112xf32, #tpu.memory_space<hbm>>, %arg5: memref<10000xi32, #tpu.memory_space<vmem>>, %arg6: memref<10112xf32, #tpu.memory_space<vmem>>) attributes {dimension_semantics = [#tpu.dimension_semantics<core_parallel>, #tpu.dimension_semantics<subcore_parallel>], iteration_bounds = array<i64: 2, 16>, scalar_prefetch = 0 : i64, scratch_operands = 2 : i64, tpu.core_type = #tpu.core_type<sc_vector_subcore>, window_params = [{transform_indices = #map}, {transform_indices = #map}, {transform_indices = #map1}]} {
    %mul3A = arith.constant 2 : i32
    %mul3A_0 = arith.muli %arg1, %mul3A : i32
    %add3A = arith.addi %mul3A_0, %arg0 : i32
    "tpu.region"() ({
      %run_scoped3A_9 = tpu.sem_alloc : memref<!tpu.dma_semaphore, #tpu.memory_space<semaphore_mem>>
      tpu.enqueue_dma source(%arg3 : memref<10112xf32, #tpu.memory_space<hbm>>) target(%arg6 : memref<10112xf32, #tpu.memory_space<vmem>>) target_semaphore(%run_scoped3A_9 : memref<!tpu.dma_semaphore, #tpu.memory_space<semaphore_mem>>)
      tpu.wait_dma2 semaphore(%run_scoped3A_9 : memref<!tpu.dma_semaphore, #tpu.memory_space<semaphore_mem>>) src(%arg3 : memref<10112xf32, #tpu.memory_space<hbm>>) dst(%arg6 : memref<10112xf32, #tpu.memory_space<vmem>>)
      tpu.yield
    }) : () -> ()
    %mul3A_1 = arith.constant 10000 : i32
    %mul3A_2 = arith.muli %add3A, %mul3A_1 : i32
    "tpu.region"() ({
      %run_scoped3A_9 = tpu.sem_alloc : memref<!tpu.dma_semaphore, #tpu.memory_space<semaphore_mem>>
      %dma_start3A = tpu.memref_slice %arg2[%mul3A_2] : memref<320000xi32, #tpu.memory_space<hbm>> -> memref<10000xi32, #tpu.memory_space<hbm>>
      %dma_start3A_10 = tpu.memref_slice %arg2[%mul3A_2] : memref<320000xi32, #tpu.memory_space<hbm>> -> memref<10000xi32, #tpu.memory_space<hbm>>
      tpu.enqueue_dma source(%dma_start3A_10 : memref<10000xi32, #tpu.memory_space<hbm>>) target(%arg5 : memref<10000xi32, #tpu.memory_space<vmem>>) target_semaphore(%run_scoped3A_9 : memref<!tpu.dma_semaphore, #tpu.memory_space<semaphore_mem>>)
      %dma_wait3A = tpu.memref_slice %arg2[%mul3A_2] : memref<320000xi32, #tpu.memory_space<hbm>> -> memref<10000xi32, #tpu.memory_space<hbm>>
      %dma_wait3A_11 = tpu.memref_slice %arg2[%mul3A_2] : memref<320000xi32, #tpu.memory_space<hbm>> -> memref<10000xi32, #tpu.memory_space<hbm>>
      tpu.wait_dma2 semaphore(%run_scoped3A_9 : memref<!tpu.dma_semaphore, #tpu.memory_space<semaphore_mem>>) src(%dma_wait3A_11 : memref<10000xi32, #tpu.memory_space<hbm>>) dst(%arg5 : memref<10000xi32, #tpu.memory_space<vmem>>)
      tpu.yield
    }) : () -> ()
    %broadcast_in_dim3A = arith.constant 1.000000e+00 : f32
    %broadcast_in_dim3A_3 = vector.broadcast %broadcast_in_dim3A : f32 to vector<16xf32>
    %scan3A = arith.constant 0 : i32
    %scan3A_4 = arith.constant 0 : i32
    %scan3A_5 = arith.constant 625 : i32
    %scan3A_6 = arith.addi %scan3A_4, %scan3A_5 : i32
    %scan3A_7 = arith.constant 1 : i32
    scf.for %scan3A_9 = %scan3A_4 to %scan3A_6 step %scan3A_7  : i32 {
      %mul3A_10 = arith.constant 16 : i32
      %mul3A_11 = arith.muli %scan3A_9, %mul3A_10 : i32
      %get3A = arith.index_cast %mul3A_11 : i32 to index
      %get3A_12 = tpu.vector_load %arg5[%get3A] {strides = array<i32>} : memref<10000xi32, #tpu.memory_space<vmem>>, vector<16xi32>,
      tpu.vector_store_idx %arg6[%get3A_12], %broadcast_in_dim3A_3 {add = true} : memref<10112xf32, #tpu.memory_space<vmem>>[vector<16xi32>], vector<16xf32>,
    }
    %scan3A_8 = arith.constant 625 : i32
    %run_scoped3A = arith.constant 0 : i32
    "tpu.region"() ({
      %run_scoped3A_9 = tpu.sem_alloc : memref<!tpu.dma_semaphore, #tpu.memory_space<semaphore_mem>>
      %dma_start3A = arith.constant 0 : i32
      %dma_start3A_10 = tpu.memref_slice %arg4[%add3A, %run_scoped3A, %dma_start3A] : memref<32x1x10112xf32, #tpu.memory_space<hbm>> -> memref<1x1x10112xf32, #tpu.memory_space<hbm>>
      %dma_start3A_11 = tpu.memref_squeeze %dma_start3A_10 : memref<1x1x10112xf32, #tpu.memory_space<hbm>> -> memref<10112xf32, #tpu.memory_space<hbm>>
      %dma_start3A_12 = arith.constant 0 : i32
      %dma_start3A_13 = tpu.memref_slice %arg4[%add3A, %run_scoped3A, %dma_start3A_12] : memref<32x1x10112xf32, #tpu.memory_space<hbm>> -> memref<1x1x10112xf32, #tpu.memory_space<hbm>>
      %dma_start3A_14 = tpu.memref_squeeze %dma_start3A_13 : memref<1x1x10112xf32, #tpu.memory_space<hbm>> -> memref<10112xf32, #tpu.memory_space<hbm>>
      tpu.enqueue_dma source(%arg6 : memref<10112xf32, #tpu.memory_space<vmem>>) target(%dma_start3A_14 : memref<10112xf32, #tpu.memory_space<hbm>>) target_semaphore(%run_scoped3A_9 : memref<!tpu.dma_semaphore, #tpu.memory_space<semaphore_mem>>)
      %dma_wait3A = arith.constant 0 : i32
      %dma_wait3A_15 = tpu.memref_slice %arg4[%add3A, %run_scoped3A, %dma_wait3A] : memref<32x1x10112xf32, #tpu.memory_space<hbm>> -> memref<1x1x10112xf32, #tpu.memory_space<hbm>>
      %dma_wait3A_16 = tpu.memref_squeeze %dma_wait3A_15 : memref<1x1x10112xf32, #tpu.memory_space<hbm>> -> memref<10112xf32, #tpu.memory_space<hbm>>
      %dma_wait3A_17 = arith.constant 0 : i32
      %dma_wait3A_18 = tpu.memref_slice %arg4[%add3A, %run_scoped3A, %dma_wait3A_17] : memref<32x1x10112xf32, #tpu.memory_space<hbm>> -> memref<1x1x10112xf32, #tpu.memory_space<hbm>>
      %dma_wait3A_19 = tpu.memref_squeeze %dma_wait3A_18 : memref<1x1x10112xf32, #tpu.memory_space<hbm>> -> memref<10112xf32, #tpu.memory_space<hbm>>
      tpu.wait_dma2 semaphore(%run_scoped3A_9 : memref<!tpu.dma_semaphore, #tpu.memory_space<semaphore_mem>>) src(%arg6 : memref<10112xf32, #tpu.memory_space<vmem>>) dst(%dma_wait3A_19 : memref<10112xf32, #tpu.memory_space<hbm>>)
      tpu.yield
    }) : () -> ()
    return
  }
}

#map = affine_map<(d0, d1) -> (0)>
#map1 = affine_map<(d0, d1) -> (0, 0, 0)>
#map2 = affine_map<(d0, d1) -> (0, 0)>
module attributes {stable_mosaic.version = 14 : i64} {
  func.func @agg(%arg0: i32, %arg1: i32, %arg2: memref<320000xi32, #tpu.memory_space<hbm>>, %arg3: memref<32x125x80xi32, #tpu.memory_space<hbm>>, %arg4: memref<10000x128xf32, #tpu.memory_space<hbm>>, %arg5: memref<10112x128xf32, #tpu.memory_space<hbm>>, %arg6: memref<2x10112x128xf32, #tpu.memory_space<hbm>>, %arg7: memref<125x80xi32, #tpu.memory_space<vmem>>, %arg8: memref<80xi32, #tpu.memory_space<vmem>>, %arg9: memref<80xi32, #tpu.memory_space<vmem>>, %arg10: memref<80xi32, #tpu.memory_space<vmem>>, %arg11: memref<80x128xf32, #tpu.memory_space<vmem>>, %arg12: memref<80x128xf32, #tpu.memory_space<vmem>>, %arg13: memref<80x128xf32, #tpu.memory_space<vmem>>, %arg14: memref<10112x128xf32, #tpu.memory_space<vmem_shared>>, %arg15: memref<!tpu.dma_semaphore, #tpu.memory_space<semaphore_mem>>, %arg16: memref<!tpu.dma_semaphore, #tpu.memory_space<semaphore_mem>>, %arg17: memref<!tpu.dma_semaphore, #tpu.memory_space<semaphore_mem>>, %arg18: memref<!tpu.dma_semaphore, #tpu.memory_space<semaphore_mem>>, %arg19: memref<!tpu.dma_semaphore, #tpu.memory_space<semaphore_mem>>, %arg20: memref<!tpu.dma_semaphore, #tpu.memory_space<semaphore_mem>>) attributes {dimension_semantics = [#tpu.dimension_semantics<core_parallel>, #tpu.dimension_semantics<subcore_parallel>], iteration_bounds = array<i64: 2, 16>, scalar_prefetch = 0 : i64, scratch_operands = 14 : i64, tpu.core_type = #tpu.core_type<sc_vector_subcore>, window_params = [{transform_indices = #map}, {transform_indices = #map1}, {transform_indices = #map2}, {transform_indices = #map2}, {transform_indices = #map1}]} {
    %mul3A = arith.constant 2 : i32
    %mul3A_0 = arith.muli %arg1, %mul3A : i32
    %add3A = arith.addi %mul3A_0, %arg0 : i32
    %mul3A_1 = arith.constant 632 : i32
    %mul3A_2 = arith.muli %arg1, %mul3A_1 : i32
    %mul3A_3 = arith.constant 10000 : i32
    %mul3A_4 = arith.muli %add3A, %mul3A_3 : i32
    "tpu.region"() ({
      %run_scoped3A_34 = tpu.sem_alloc : memref<!tpu.dma_semaphore, #tpu.memory_space<semaphore_mem>>
      %dma_start3A_35 = arith.constant 0 : i32
      %dma_start3A_36 = tpu.memref_slice %arg14[%mul3A_2, %dma_start3A_35] : memref<10112x128xf32, #tpu.memory_space<vmem_shared>> -> memref<632x128xf32, #tpu.memory_space<vmem_shared>>
      %dma_start3A_37 = arith.constant 0 : i32
      %dma_start3A_38 = tpu.memref_slice %arg5[%mul3A_2, %dma_start3A_37] : memref<10112x128xf32, #tpu.memory_space<hbm>> -> memref<632x128xf32, #tpu.memory_space<hbm>>
      tpu.enqueue_dma source(%dma_start3A_38 : memref<632x128xf32, #tpu.memory_space<hbm>>) target(%dma_start3A_36 : memref<632x128xf32, #tpu.memory_space<vmem_shared>>) target_semaphore(%run_scoped3A_34 : memref<!tpu.dma_semaphore, #tpu.memory_space<semaphore_mem>>)
      %dma_wait3A_39 = arith.constant 0 : i32
      %dma_wait3A_40 = tpu.memref_slice %arg14[%mul3A_2, %dma_wait3A_39] : memref<10112x128xf32, #tpu.memory_space<vmem_shared>> -> memref<632x128xf32, #tpu.memory_space<vmem_shared>>
      %dma_wait3A_41 = arith.constant 0 : i32
      %dma_wait3A_42 = tpu.memref_slice %arg5[%mul3A_2, %dma_wait3A_41] : memref<10112x128xf32, #tpu.memory_space<hbm>> -> memref<632x128xf32, #tpu.memory_space<hbm>>
      tpu.wait_dma2 semaphore(%run_scoped3A_34 : memref<!tpu.dma_semaphore, #tpu.memory_space<semaphore_mem>>) src(%dma_wait3A_42 : memref<632x128xf32, #tpu.memory_space<hbm>>) dst(%dma_wait3A_40 : memref<632x128xf32, #tpu.memory_space<vmem_shared>>)
      tpu.yield
    }) : () -> ()
    "tpu.region"() ({
      %run_scoped3A_34 = tpu.sem_alloc : memref<!tpu.dma_semaphore, #tpu.memory_space<semaphore_mem>>
      %dma_start3A_35 = arith.constant 0 : i32
      %dma_start3A_36 = arith.constant 0 : i32
      %dma_start3A_37 = tpu.memref_slice %arg3[%add3A, %dma_start3A_35, %dma_start3A_36] : memref<32x125x80xi32, #tpu.memory_space<hbm>> -> memref<1x125x80xi32, #tpu.memory_space<hbm>>
      %dma_start3A_38 = tpu.memref_squeeze %dma_start3A_37 : memref<1x125x80xi32, #tpu.memory_space<hbm>> -> memref<125x80xi32, #tpu.memory_space<hbm>>
      %dma_start3A_39 = arith.constant 0 : i32
      %dma_start3A_40 = arith.constant 0 : i32
      %dma_start3A_41 = tpu.memref_slice %arg3[%add3A, %dma_start3A_39, %dma_start3A_40] : memref<32x125x80xi32, #tpu.memory_space<hbm>> -> memref<1x125x80xi32, #tpu.memory_space<hbm>>
      %dma_start3A_42 = tpu.memref_squeeze %dma_start3A_41 : memref<1x125x80xi32, #tpu.memory_space<hbm>> -> memref<125x80xi32, #tpu.memory_space<hbm>>
      tpu.enqueue_dma source(%dma_start3A_42 : memref<125x80xi32, #tpu.memory_space<hbm>>) target(%arg7 : memref<125x80xi32, #tpu.memory_space<vmem>>) target_semaphore(%run_scoped3A_34 : memref<!tpu.dma_semaphore, #tpu.memory_space<semaphore_mem>>)
      %dma_wait3A_43 = arith.constant 0 : i32
      %dma_wait3A_44 = arith.constant 0 : i32
      %dma_wait3A_45 = tpu.memref_slice %arg3[%add3A, %dma_wait3A_43, %dma_wait3A_44] : memref<32x125x80xi32, #tpu.memory_space<hbm>> -> memref<1x125x80xi32, #tpu.memory_space<hbm>>
      %dma_wait3A_46 = tpu.memref_squeeze %dma_wait3A_45 : memref<1x125x80xi32, #tpu.memory_space<hbm>> -> memref<125x80xi32, #tpu.memory_space<hbm>>
      %dma_wait3A_47 = arith.constant 0 : i32
      %dma_wait3A_48 = arith.constant 0 : i32
      %dma_wait3A_49 = tpu.memref_slice %arg3[%add3A, %dma_wait3A_47, %dma_wait3A_48] : memref<32x125x80xi32, #tpu.memory_space<hbm>> -> memref<1x125x80xi32, #tpu.memory_space<hbm>>
      %dma_wait3A_50 = tpu.memref_squeeze %dma_wait3A_49 : memref<1x125x80xi32, #tpu.memory_space<hbm>> -> memref<125x80xi32, #tpu.memory_space<hbm>>
      tpu.wait_dma2 semaphore(%run_scoped3A_34 : memref<!tpu.dma_semaphore, #tpu.memory_space<semaphore_mem>>) src(%dma_wait3A_50 : memref<125x80xi32, #tpu.memory_space<hbm>>) dst(%arg7 : memref<125x80xi32, #tpu.memory_space<vmem>>)
      tpu.yield
    }) : () -> ()
    %barrier3A = arith.constant 0 : index
    tpu.barrier barrier_id(%barrier3A)
    %add3A_5 = arith.constant 0 : i32
    %add3A_6 = arith.addi %mul3A_4, %add3A_5 : i32
    "tpu.region"() ({
      %run_scoped3A_34 = tpu.sem_alloc : memref<!tpu.dma_semaphore, #tpu.memory_space<semaphore_mem>>
      %dma_start3A_35 = tpu.memref_slice %arg2[%add3A_6] : memref<320000xi32, #tpu.memory_space<hbm>> -> memref<80xi32, #tpu.memory_space<hbm>>
      %dma_start3A_36 = tpu.memref_slice %arg2[%add3A_6] : memref<320000xi32, #tpu.memory_space<hbm>> -> memref<80xi32, #tpu.memory_space<hbm>>
      tpu.enqueue_dma source(%dma_start3A_36 : memref<80xi32, #tpu.memory_space<hbm>>) target(%arg8 : memref<80xi32, #tpu.memory_space<vmem>>) target_semaphore(%run_scoped3A_34 : memref<!tpu.dma_semaphore, #tpu.memory_space<semaphore_mem>>)
      %dma_wait3A_37 = tpu.memref_slice %arg2[%add3A_6] : memref<320000xi32, #tpu.memory_space<hbm>> -> memref<80xi32, #tpu.memory_space<hbm>>
      %dma_wait3A_38 = tpu.memref_slice %arg2[%add3A_6] : memref<320000xi32, #tpu.memory_space<hbm>> -> memref<80xi32, #tpu.memory_space<hbm>>
      tpu.wait_dma2 semaphore(%run_scoped3A_34 : memref<!tpu.dma_semaphore, #tpu.memory_space<semaphore_mem>>) src(%dma_wait3A_38 : memref<80xi32, #tpu.memory_space<hbm>>) dst(%arg8 : memref<80xi32, #tpu.memory_space<vmem>>)
      tpu.yield
    }) : () -> ()
    %add3A_7 = arith.constant 80 : i32
    %add3A_8 = arith.addi %mul3A_4, %add3A_7 : i32
    "tpu.region"() ({
      %run_scoped3A_34 = tpu.sem_alloc : memref<!tpu.dma_semaphore, #tpu.memory_space<semaphore_mem>>
      %dma_start3A_35 = tpu.memref_slice %arg2[%add3A_8] : memref<320000xi32, #tpu.memory_space<hbm>> -> memref<80xi32, #tpu.memory_space<hbm>>
      %dma_start3A_36 = tpu.memref_slice %arg2[%add3A_8] : memref<320000xi32, #tpu.memory_space<hbm>> -> memref<80xi32, #tpu.memory_space<hbm>>
      tpu.enqueue_dma source(%dma_start3A_36 : memref<80xi32, #tpu.memory_space<hbm>>) target(%arg9 : memref<80xi32, #tpu.memory_space<vmem>>) target_semaphore(%run_scoped3A_34 : memref<!tpu.dma_semaphore, #tpu.memory_space<semaphore_mem>>)
      %dma_wait3A_37 = tpu.memref_slice %arg2[%add3A_8] : memref<320000xi32, #tpu.memory_space<hbm>> -> memref<80xi32, #tpu.memory_space<hbm>>
      %dma_wait3A_38 = tpu.memref_slice %arg2[%add3A_8] : memref<320000xi32, #tpu.memory_space<hbm>> -> memref<80xi32, #tpu.memory_space<hbm>>
      tpu.wait_dma2 semaphore(%run_scoped3A_34 : memref<!tpu.dma_semaphore, #tpu.memory_space<semaphore_mem>>) src(%dma_wait3A_38 : memref<80xi32, #tpu.memory_space<hbm>>) dst(%arg9 : memref<80xi32, #tpu.memory_space<vmem>>)
      tpu.yield
    }) : () -> ()
    %dma_start3A = arith.constant 0 : i32
    %dma_start3A_9 = arith.constant 0 : i32
    %dma_start3A_10 = tpu.memref_slice %arg4[%dma_start3A, %dma_start3A_9] : memref<10000x128xf32, #tpu.memory_space<hbm>> -> memref<10000x128xf32, #tpu.memory_space<hbm>>
    tpu.enqueue_indirect_dma source(%dma_start3A_10 : memref<10000x128xf32, #tpu.memory_space<hbm>>) target(%arg11 : memref<80x128xf32, #tpu.memory_space<vmem>>) offsets(%arg8 : memref<80xi32, #tpu.memory_space<vmem>>) semaphore(%arg15 : memref<!tpu.dma_semaphore, #tpu.memory_space<semaphore_mem>>)
    %dma_start3A_11 = arith.constant 0 : i32
    %dma_start3A_12 = arith.constant 0 : i32
    %dma_start3A_13 = tpu.memref_slice %arg4[%dma_start3A_11, %dma_start3A_12] : memref<10000x128xf32, #tpu.memory_space<hbm>> -> memref<10000x128xf32, #tpu.memory_space<hbm>>
    tpu.enqueue_indirect_dma source(%dma_start3A_13 : memref<10000x128xf32, #tpu.memory_space<hbm>>) target(%arg12 : memref<80x128xf32, #tpu.memory_space<vmem>>) offsets(%arg9 : memref<80xi32, #tpu.memory_space<vmem>>) semaphore(%arg16 : memref<!tpu.dma_semaphore, #tpu.memory_space<semaphore_mem>>)
    %add3A_14 = arith.constant 160 : i32
    %add3A_15 = arith.addi %mul3A_4, %add3A_14 : i32
    %dma_start3A_16 = tpu.memref_slice %arg2[%add3A_15] : memref<320000xi32, #tpu.memory_space<hbm>> -> memref<80xi32, #tpu.memory_space<hbm>>
    %dma_start3A_17 = tpu.memref_slice %arg2[%add3A_15] : memref<320000xi32, #tpu.memory_space<hbm>> -> memref<80xi32, #tpu.memory_space<hbm>>
    tpu.enqueue_dma source(%dma_start3A_17 : memref<80xi32, #tpu.memory_space<hbm>>) target(%arg10 : memref<80xi32, #tpu.memory_space<vmem>>) target_semaphore(%arg20 : memref<!tpu.dma_semaphore, #tpu.memory_space<semaphore_mem>>)
    %scan3A = arith.constant 0 : i32
    %scan3A_18 = arith.constant 0 : i32
    %scan3A_19 = arith.constant 41 : i32
    %scan3A_20 = arith.addi %scan3A_18, %scan3A_19 : i32
    %scan3A_21 = arith.constant 1 : i32
    scf.for %scan3A_34 = %scan3A_18 to %scan3A_20 step %scan3A_21  : i32 {
      %mul3A_35 = arith.constant 3 : i32
      %mul3A_36 = arith.muli %mul3A_35, %scan3A_34 : i32
      %add3A_37 = arith.constant 2 : i32
      %add3A_38 = arith.addi %mul3A_36, %add3A_37 : i32
      %mul3A_39 = arith.constant 80 : i32
      %mul3A_40 = arith.muli %add3A_38, %mul3A_39 : i32
      %add3A_41 = arith.addi %mul3A_4, %mul3A_40 : i32
      %dma_wait3A_42 = tpu.memref_slice %arg2[%add3A_41] : memref<320000xi32, #tpu.memory_space<hbm>> -> memref<80xi32, #tpu.memory_space<hbm>>
      %dma_wait3A_43 = tpu.memref_slice %arg2[%add3A_41] : memref<320000xi32, #tpu.memory_space<hbm>> -> memref<80xi32, #tpu.memory_space<hbm>>
      tpu.wait_dma2 semaphore(%arg20 : memref<!tpu.dma_semaphore, #tpu.memory_space<semaphore_mem>>) src(%dma_wait3A_43 : memref<80xi32, #tpu.memory_space<hbm>>) dst(%arg10 : memref<80xi32, #tpu.memory_space<vmem>>)
      %dma_wait3A_44 = arith.constant 0 : i32
      %dma_wait3A_45 = arith.constant 0 : i32
      %dma_wait3A_46 = tpu.memref_slice %arg4[%dma_wait3A_44, %dma_wait3A_45] : memref<10000x128xf32, #tpu.memory_space<hbm>> -> memref<10000x128xf32, #tpu.memory_space<hbm>>
      tpu.wait_indirect_dma semaphore(%arg15 : memref<!tpu.dma_semaphore, #tpu.memory_space<semaphore_mem>>) src(%dma_wait3A_46 : memref<10000x128xf32, #tpu.memory_space<hbm>>) dst(%arg11 : memref<80x128xf32, #tpu.memory_space<vmem>>)
      %dma_start3A_47 = arith.constant 0 : i32
      %dma_start3A_48 = arith.constant 0 : i32
      %dma_start3A_49 = tpu.memref_slice %arg4[%dma_start3A_47, %dma_start3A_48] : memref<10000x128xf32, #tpu.memory_space<hbm>> -> memref<10000x128xf32, #tpu.memory_space<hbm>>
      tpu.enqueue_indirect_dma source(%dma_start3A_49 : memref<10000x128xf32, #tpu.memory_space<hbm>>) target(%arg13 : memref<80x128xf32, #tpu.memory_space<vmem>>) offsets(%arg10 : memref<80xi32, #tpu.memory_space<vmem>>) semaphore(%arg17 : memref<!tpu.dma_semaphore, #tpu.memory_space<semaphore_mem>>)
      %add3A_50 = arith.constant 3 : i32
      %add3A_51 = arith.addi %mul3A_36, %add3A_50 : i32
      %mul3A_52 = arith.constant 80 : i32
      %mul3A_53 = arith.muli %add3A_51, %mul3A_52 : i32
      %add3A_54 = arith.addi %mul3A_4, %mul3A_53 : i32
      %dma_start3A_55 = tpu.memref_slice %arg2[%add3A_54] : memref<320000xi32, #tpu.memory_space<hbm>> -> memref<80xi32, #tpu.memory_space<hbm>>
      %dma_start3A_56 = tpu.memref_slice %arg2[%add3A_54] : memref<320000xi32, #tpu.memory_space<hbm>> -> memref<80xi32, #tpu.memory_space<hbm>>
      tpu.enqueue_dma source(%dma_start3A_56 : memref<80xi32, #tpu.memory_space<hbm>>) target(%arg8 : memref<80xi32, #tpu.memory_space<vmem>>) target_semaphore(%arg18 : memref<!tpu.dma_semaphore, #tpu.memory_space<semaphore_mem>>)
      "tpu.region"() ({
        %run_scoped3A_102 = tpu.sem_alloc : memref<!tpu.dma_semaphore, #tpu.memory_space<semaphore_mem>>
        %dma_start3A_103 = arith.constant 0 : i32
        %dma_start3A_104 = tpu.memref_slice %arg7[%mul3A_36, %dma_start3A_103] : memref<125x80xi32, #tpu.memory_space<vmem>> -> memref<1x80xi32, #tpu.memory_space<vmem>>
        %dma_start3A_105 = tpu.memref_squeeze %dma_start3A_104 : memref<1x80xi32, #tpu.memory_space<vmem>> -> memref<80xi32, #tpu.memory_space<vmem>>
        %dma_start3A_106 = arith.constant 0 : i32
        %dma_start3A_107 = arith.constant 0 : i32
        %dma_start3A_108 = tpu.memref_slice %arg14[%dma_start3A_106, %dma_start3A_107] : memref<10112x128xf32, #tpu.memory_space<vmem_shared>> -> memref<10112x128xf32, #tpu.memory_space<vmem_shared>>
        tpu.enqueue_indirect_dma source(%arg11 : memref<80x128xf32, #tpu.memory_space<vmem>>) target(%dma_start3A_108 : memref<10112x128xf32, #tpu.memory_space<vmem_shared>>) offsets(%dma_start3A_105 : memref<80xi32, #tpu.memory_space<vmem>>) semaphore(%run_scoped3A_102 : memref<!tpu.dma_semaphore, #tpu.memory_space<semaphore_mem>>) {add = true}
        %dma_wait3A_109 = arith.constant 0 : i32
        %dma_wait3A_110 = tpu.memref_slice %arg7[%mul3A_36, %dma_wait3A_109] : memref<125x80xi32, #tpu.memory_space<vmem>> -> memref<1x80xi32, #tpu.memory_space<vmem>>
        %dma_wait3A_111 = tpu.memref_squeeze %dma_wait3A_110 : memref<1x80xi32, #tpu.memory_space<vmem>> -> memref<80xi32, #tpu.memory_space<vmem>>
        %dma_wait3A_112 = arith.constant 0 : i32
        %dma_wait3A_113 = arith.constant 0 : i32
        %dma_wait3A_114 = tpu.memref_slice %arg14[%dma_wait3A_112, %dma_wait3A_113] : memref<10112x128xf32, #tpu.memory_space<vmem_shared>> -> memref<10112x128xf32, #tpu.memory_space<vmem_shared>>
        tpu.wait_indirect_dma semaphore(%run_scoped3A_102 : memref<!tpu.dma_semaphore, #tpu.memory_space<semaphore_mem>>) src(%arg11 : memref<80x128xf32, #tpu.memory_space<vmem>>) dst(%dma_wait3A_114 : memref<10112x128xf32, #tpu.memory_space<vmem_shared>>)
        tpu.yield
      }) : () -> ()
      %add3A_57 = arith.constant 3 : i32
      %add3A_58 = arith.addi %mul3A_36, %add3A_57 : i32
      %mul3A_59 = arith.constant 80 : i32
      %mul3A_60 = arith.muli %add3A_58, %mul3A_59 : i32
      %add3A_61 = arith.addi %mul3A_4, %mul3A_60 : i32
      %dma_wait3A_62 = tpu.memref_slice %arg2[%add3A_61] : memref<320000xi32, #tpu.memory_space<hbm>> -> memref<80xi32, #tpu.memory_space<hbm>>
      %dma_wait3A_63 = tpu.memref_slice %arg2[%add3A_61] : memref<320000xi32, #tpu.memory_space<hbm>> -> memref<80xi32, #tpu.memory_space<hbm>>
      tpu.wait_dma2 semaphore(%arg18 : memref<!tpu.dma_semaphore, #tpu.memory_space<semaphore_mem>>) src(%dma_wait3A_63 : memref<80xi32, #tpu.memory_space<hbm>>) dst(%arg8 : memref<80xi32, #tpu.memory_space<vmem>>)
      %dma_wait3A_64 = arith.constant 0 : i32
      %dma_wait3A_65 = arith.constant 0 : i32
      %dma_wait3A_66 = tpu.memref_slice %arg4[%dma_wait3A_64, %dma_wait3A_65] : memref<10000x128xf32, #tpu.memory_space<hbm>> -> memref<10000x128xf32, #tpu.memory_space<hbm>>
      tpu.wait_indirect_dma semaphore(%arg16 : memref<!tpu.dma_semaphore, #tpu.memory_space<semaphore_mem>>) src(%dma_wait3A_66 : memref<10000x128xf32, #tpu.memory_space<hbm>>) dst(%arg12 : memref<80x128xf32, #tpu.memory_space<vmem>>)
      %dma_start3A_67 = arith.constant 0 : i32
      %dma_start3A_68 = arith.constant 0 : i32
      %dma_start3A_69 = tpu.memref_slice %arg4[%dma_start3A_67, %dma_start3A_68] : memref<10000x128xf32, #tpu.memory_space<hbm>> -> memref<10000x128xf32, #tpu.memory_space<hbm>>
      tpu.enqueue_indirect_dma source(%dma_start3A_69 : memref<10000x128xf32, #tpu.memory_space<hbm>>) target(%arg11 : memref<80x128xf32, #tpu.memory_space<vmem>>) offsets(%arg8 : memref<80xi32, #tpu.memory_space<vmem>>) semaphore(%arg15 : memref<!tpu.dma_semaphore, #tpu.memory_space<semaphore_mem>>)
      %add3A_70 = arith.constant 4 : i32
      %add3A_71 = arith.addi %mul3A_36, %add3A_70 : i32
      %mul3A_72 = arith.constant 80 : i32
      %mul3A_73 = arith.muli %add3A_71, %mul3A_72 : i32
      %add3A_74 = arith.addi %mul3A_4, %mul3A_73 : i32
      %dma_start3A_75 = tpu.memref_slice %arg2[%add3A_74] : memref<320000xi32, #tpu.memory_space<hbm>> -> memref<80xi32, #tpu.memory_space<hbm>>
      %dma_start3A_76 = tpu.memref_slice %arg2[%add3A_74] : memref<320000xi32, #tpu.memory_space<hbm>> -> memref<80xi32, #tpu.memory_space<hbm>>
      tpu.enqueue_dma source(%dma_start3A_76 : memref<80xi32, #tpu.memory_space<hbm>>) target(%arg9 : memref<80xi32, #tpu.memory_space<vmem>>) target_semaphore(%arg19 : memref<!tpu.dma_semaphore, #tpu.memory_space<semaphore_mem>>)
      %add3A_77 = arith.constant 1 : i32
      %add3A_78 = arith.addi %mul3A_36, %add3A_77 : i32
      "tpu.region"() ({
        %run_scoped3A_102 = tpu.sem_alloc : memref<!tpu.dma_semaphore, #tpu.memory_space<semaphore_mem>>
        %dma_start3A_103 = arith.constant 0 : i32
        %dma_start3A_104 = tpu.memref_slice %arg7[%add3A_78, %dma_start3A_103] : memref<125x80xi32, #tpu.memory_space<vmem>> -> memref<1x80xi32, #tpu.memory_space<vmem>>
        %dma_start3A_105 = tpu.memref_squeeze %dma_start3A_104 : memref<1x80xi32, #tpu.memory_space<vmem>> -> memref<80xi32, #tpu.memory_space<vmem>>
        %dma_start3A_106 = arith.constant 0 : i32
        %dma_start3A_107 = arith.constant 0 : i32
        %dma_start3A_108 = tpu.memref_slice %arg14[%dma_start3A_106, %dma_start3A_107] : memref<10112x128xf32, #tpu.memory_space<vmem_shared>> -> memref<10112x128xf32, #tpu.memory_space<vmem_shared>>
        tpu.enqueue_indirect_dma source(%arg12 : memref<80x128xf32, #tpu.memory_space<vmem>>) target(%dma_start3A_108 : memref<10112x128xf32, #tpu.memory_space<vmem_shared>>) offsets(%dma_start3A_105 : memref<80xi32, #tpu.memory_space<vmem>>) semaphore(%run_scoped3A_102 : memref<!tpu.dma_semaphore, #tpu.memory_space<semaphore_mem>>) {add = true}
        %dma_wait3A_109 = arith.constant 0 : i32
        %dma_wait3A_110 = tpu.memref_slice %arg7[%add3A_78, %dma_wait3A_109] : memref<125x80xi32, #tpu.memory_space<vmem>> -> memref<1x80xi32, #tpu.memory_space<vmem>>
        %dma_wait3A_111 = tpu.memref_squeeze %dma_wait3A_110 : memref<1x80xi32, #tpu.memory_space<vmem>> -> memref<80xi32, #tpu.memory_space<vmem>>
        %dma_wait3A_112 = arith.constant 0 : i32
        %dma_wait3A_113 = arith.constant 0 : i32
        %dma_wait3A_114 = tpu.memref_slice %arg14[%dma_wait3A_112, %dma_wait3A_113] : memref<10112x128xf32, #tpu.memory_space<vmem_shared>> -> memref<10112x128xf32, #tpu.memory_space<vmem_shared>>
        tpu.wait_indirect_dma semaphore(%run_scoped3A_102 : memref<!tpu.dma_semaphore, #tpu.memory_space<semaphore_mem>>) src(%arg12 : memref<80x128xf32, #tpu.memory_space<vmem>>) dst(%dma_wait3A_114 : memref<10112x128xf32, #tpu.memory_space<vmem_shared>>)
        tpu.yield
      }) : () -> ()
      %add3A_79 = arith.constant 4 : i32
      %add3A_80 = arith.addi %mul3A_36, %add3A_79 : i32
      %mul3A_81 = arith.constant 80 : i32
      %mul3A_82 = arith.muli %add3A_80, %mul3A_81 : i32
      %add3A_83 = arith.addi %mul3A_4, %mul3A_82 : i32
      %dma_wait3A_84 = tpu.memref_slice %arg2[%add3A_83] : memref<320000xi32, #tpu.memory_space<hbm>> -> memref<80xi32, #tpu.memory_space<hbm>>
      %dma_wait3A_85 = tpu.memref_slice %arg2[%add3A_83] : memref<320000xi32, #tpu.memory_space<hbm>> -> memref<80xi32, #tpu.memory_space<hbm>>
      tpu.wait_dma2 semaphore(%arg19 : memref<!tpu.dma_semaphore, #tpu.memory_space<semaphore_mem>>) src(%dma_wait3A_85 : memref<80xi32, #tpu.memory_space<hbm>>) dst(%arg9 : memref<80xi32, #tpu.memory_space<vmem>>)
      %dma_wait3A_86 = arith.constant 0 : i32
      %dma_wait3A_87 = arith.constant 0 : i32
      %dma_wait3A_88 = tpu.memref_slice %arg4[%dma_wait3A_86, %dma_wait3A_87] : memref<10000x128xf32, #tpu.memory_space<hbm>> -> memref<10000x128xf32, #tpu.memory_space<hbm>>
      tpu.wait_indirect_dma semaphore(%arg17 : memref<!tpu.dma_semaphore, #tpu.memory_space<semaphore_mem>>) src(%dma_wait3A_88 : memref<10000x128xf32, #tpu.memory_space<hbm>>) dst(%arg13 : memref<80x128xf32, #tpu.memory_space<vmem>>)
      %dma_start3A_89 = arith.constant 0 : i32
      %dma_start3A_90 = arith.constant 0 : i32
      %dma_start3A_91 = tpu.memref_slice %arg4[%dma_start3A_89, %dma_start3A_90] : memref<10000x128xf32, #tpu.memory_space<hbm>> -> memref<10000x128xf32, #tpu.memory_space<hbm>>
      tpu.enqueue_indirect_dma source(%dma_start3A_91 : memref<10000x128xf32, #tpu.memory_space<hbm>>) target(%arg12 : memref<80x128xf32, #tpu.memory_space<vmem>>) offsets(%arg9 : memref<80xi32, #tpu.memory_space<vmem>>) semaphore(%arg16 : memref<!tpu.dma_semaphore, #tpu.memory_space<semaphore_mem>>)
      %add3A_92 = arith.constant 5 : i32
      %add3A_93 = arith.addi %mul3A_36, %add3A_92 : i32
      %min3A = arith.constant 124 : i32
      %min3A_94 = arith.minsi %add3A_93, %min3A : i32
      %mul3A_95 = arith.constant 80 : i32
      %mul3A_96 = arith.muli %min3A_94, %mul3A_95 : i32
      %add3A_97 = arith.addi %mul3A_4, %mul3A_96 : i32
      %dma_start3A_98 = tpu.memref_slice %arg2[%add3A_97] : memref<320000xi32, #tpu.memory_space<hbm>> -> memref<80xi32, #tpu.memory_space<hbm>>
      %dma_start3A_99 = tpu.memref_slice %arg2[%add3A_97] : memref<320000xi32, #tpu.memory_space<hbm>> -> memref<80xi32, #tpu.memory_space<hbm>>
      tpu.enqueue_dma source(%dma_start3A_99 : memref<80xi32, #tpu.memory_space<hbm>>) target(%arg10 : memref<80xi32, #tpu.memory_space<vmem>>) target_semaphore(%arg20 : memref<!tpu.dma_semaphore, #tpu.memory_space<semaphore_mem>>)
      %add3A_100 = arith.constant 2 : i32
      %add3A_101 = arith.addi %mul3A_36, %add3A_100 : i32
      "tpu.region"() ({
        %run_scoped3A_102 = tpu.sem_alloc : memref<!tpu.dma_semaphore, #tpu.memory_space<semaphore_mem>>
        %dma_start3A_103 = arith.constant 0 : i32
        %dma_start3A_104 = tpu.memref_slice %arg7[%add3A_101, %dma_start3A_103] : memref<125x80xi32, #tpu.memory_space<vmem>> -> memref<1x80xi32, #tpu.memory_space<vmem>>
        %dma_start3A_105 = tpu.memref_squeeze %dma_start3A_104 : memref<1x80xi32, #tpu.memory_space<vmem>> -> memref<80xi32, #tpu.memory_space<vmem>>
        %dma_start3A_106 = arith.constant 0 : i32
        %dma_start3A_107 = arith.constant 0 : i32
        %dma_start3A_108 = tpu.memref_slice %arg14[%dma_start3A_106, %dma_start3A_107] : memref<10112x128xf32, #tpu.memory_space<vmem_shared>> -> memref<10112x128xf32, #tpu.memory_space<vmem_shared>>
        tpu.enqueue_indirect_dma source(%arg13 : memref<80x128xf32, #tpu.memory_space<vmem>>) target(%dma_start3A_108 : memref<10112x128xf32, #tpu.memory_space<vmem_shared>>) offsets(%dma_start3A_105 : memref<80xi32, #tpu.memory_space<vmem>>) semaphore(%run_scoped3A_102 : memref<!tpu.dma_semaphore, #tpu.memory_space<semaphore_mem>>) {add = true}
        %dma_wait3A_109 = arith.constant 0 : i32
        %dma_wait3A_110 = tpu.memref_slice %arg7[%add3A_101, %dma_wait3A_109] : memref<125x80xi32, #tpu.memory_space<vmem>> -> memref<1x80xi32, #tpu.memory_space<vmem>>
        %dma_wait3A_111 = tpu.memref_squeeze %dma_wait3A_110 : memref<1x80xi32, #tpu.memory_space<vmem>> -> memref<80xi32, #tpu.memory_space<vmem>>
        %dma_wait3A_112 = arith.constant 0 : i32
        %dma_wait3A_113 = arith.constant 0 : i32
        %dma_wait3A_114 = tpu.memref_slice %arg14[%dma_wait3A_112, %dma_wait3A_113] : memref<10112x128xf32, #tpu.memory_space<vmem_shared>> -> memref<10112x128xf32, #tpu.memory_space<vmem_shared>>
        tpu.wait_indirect_dma semaphore(%run_scoped3A_102 : memref<!tpu.dma_semaphore, #tpu.memory_space<semaphore_mem>>) src(%arg13 : memref<80x128xf32, #tpu.memory_space<vmem>>) dst(%dma_wait3A_114 : memref<10112x128xf32, #tpu.memory_space<vmem_shared>>)
        tpu.yield
      }) : () -> ()
    }
    %scan3A_22 = arith.constant 41 : i32
    %dma_wait3A = arith.constant 0 : i32
    %dma_wait3A_23 = arith.constant 0 : i32
    %dma_wait3A_24 = tpu.memref_slice %arg4[%dma_wait3A, %dma_wait3A_23] : memref<10000x128xf32, #tpu.memory_space<hbm>> -> memref<10000x128xf32, #tpu.memory_space<hbm>>
    tpu.wait_indirect_dma semaphore(%arg15 : memref<!tpu.dma_semaphore, #tpu.memory_space<semaphore_mem>>) src(%dma_wait3A_24 : memref<10000x128xf32, #tpu.memory_space<hbm>>) dst(%arg11 : memref<80x128xf32, #tpu.memory_space<vmem>>)
    %run_scoped3A = arith.constant 123 : i32
    "tpu.region"() ({
      %run_scoped3A_34 = tpu.sem_alloc : memref<!tpu.dma_semaphore, #tpu.memory_space<semaphore_mem>>
      %dma_start3A_35 = arith.constant 0 : i32
      %dma_start3A_36 = tpu.memref_slice %arg7[%run_scoped3A, %dma_start3A_35] : memref<125x80xi32, #tpu.memory_space<vmem>> -> memref<1x80xi32, #tpu.memory_space<vmem>>
      %dma_start3A_37 = tpu.memref_squeeze %dma_start3A_36 : memref<1x80xi32, #tpu.memory_space<vmem>> -> memref<80xi32, #tpu.memory_space<vmem>>
      %dma_start3A_38 = arith.constant 0 : i32
      %dma_start3A_39 = arith.constant 0 : i32
      %dma_start3A_40 = tpu.memref_slice %arg14[%dma_start3A_38, %dma_start3A_39] : memref<10112x128xf32, #tpu.memory_space<vmem_shared>> -> memref<10112x128xf32, #tpu.memory_space<vmem_shared>>
      tpu.enqueue_indirect_dma source(%arg11 : memref<80x128xf32, #tpu.memory_space<vmem>>) target(%dma_start3A_40 : memref<10112x128xf32, #tpu.memory_space<vmem_shared>>) offsets(%dma_start3A_37 : memref<80xi32, #tpu.memory_space<vmem>>) semaphore(%run_scoped3A_34 : memref<!tpu.dma_semaphore, #tpu.memory_space<semaphore_mem>>) {add = true}
      %dma_wait3A_41 = arith.constant 0 : i32
      %dma_wait3A_42 = tpu.memref_slice %arg7[%run_scoped3A, %dma_wait3A_41] : memref<125x80xi32, #tpu.memory_space<vmem>> -> memref<1x80xi32, #tpu.memory_space<vmem>>
      %dma_wait3A_43 = tpu.memref_squeeze %dma_wait3A_42 : memref<1x80xi32, #tpu.memory_space<vmem>> -> memref<80xi32, #tpu.memory_space<vmem>>
      %dma_wait3A_44 = arith.constant 0 : i32
      %dma_wait3A_45 = arith.constant 0 : i32
      %dma_wait3A_46 = tpu.memref_slice %arg14[%dma_wait3A_44, %dma_wait3A_45] : memref<10112x128xf32, #tpu.memory_space<vmem_shared>> -> memref<10112x128xf32, #tpu.memory_space<vmem_shared>>
      tpu.wait_indirect_dma semaphore(%run_scoped3A_34 : memref<!tpu.dma_semaphore, #tpu.memory_space<semaphore_mem>>) src(%arg11 : memref<80x128xf32, #tpu.memory_space<vmem>>) dst(%dma_wait3A_46 : memref<10112x128xf32, #tpu.memory_space<vmem_shared>>)
      tpu.yield
    }) : () -> ()
    %dma_wait3A_25 = arith.constant 0 : i32
    %dma_wait3A_26 = arith.constant 0 : i32
    %dma_wait3A_27 = tpu.memref_slice %arg4[%dma_wait3A_25, %dma_wait3A_26] : memref<10000x128xf32, #tpu.memory_space<hbm>> -> memref<10000x128xf32, #tpu.memory_space<hbm>>
    tpu.wait_indirect_dma semaphore(%arg16 : memref<!tpu.dma_semaphore, #tpu.memory_space<semaphore_mem>>) src(%dma_wait3A_27 : memref<10000x128xf32, #tpu.memory_space<hbm>>) dst(%arg12 : memref<80x128xf32, #tpu.memory_space<vmem>>)
    %add3A_28 = arith.constant 9920 : i32
    %add3A_29 = arith.addi %mul3A_4, %add3A_28 : i32
    %dma_wait3A_30 = tpu.memref_slice %arg2[%add3A_29] : memref<320000xi32, #tpu.memory_space<hbm>> -> memref<80xi32, #tpu.memory_space<hbm>>
    %dma_wait3A_31 = tpu.memref_slice %arg2[%add3A_29] : memref<320000xi32, #tpu.memory_space<hbm>> -> memref<80xi32, #tpu.memory_space<hbm>>
    tpu.wait_dma2 semaphore(%arg20 : memref<!tpu.dma_semaphore, #tpu.memory_space<semaphore_mem>>) src(%dma_wait3A_31 : memref<80xi32, #tpu.memory_space<hbm>>) dst(%arg10 : memref<80xi32, #tpu.memory_space<vmem>>)
    %run_scoped3A_32 = arith.constant 124 : i32
    "tpu.region"() ({
      %run_scoped3A_34 = tpu.sem_alloc : memref<!tpu.dma_semaphore, #tpu.memory_space<semaphore_mem>>
      %dma_start3A_35 = arith.constant 0 : i32
      %dma_start3A_36 = tpu.memref_slice %arg7[%run_scoped3A_32, %dma_start3A_35] : memref<125x80xi32, #tpu.memory_space<vmem>> -> memref<1x80xi32, #tpu.memory_space<vmem>>
      %dma_start3A_37 = tpu.memref_squeeze %dma_start3A_36 : memref<1x80xi32, #tpu.memory_space<vmem>> -> memref<80xi32, #tpu.memory_space<vmem>>
      %dma_start3A_38 = arith.constant 0 : i32
      %dma_start3A_39 = arith.constant 0 : i32
      %dma_start3A_40 = tpu.memref_slice %arg14[%dma_start3A_38, %dma_start3A_39] : memref<10112x128xf32, #tpu.memory_space<vmem_shared>> -> memref<10112x128xf32, #tpu.memory_space<vmem_shared>>
      tpu.enqueue_indirect_dma source(%arg12 : memref<80x128xf32, #tpu.memory_space<vmem>>) target(%dma_start3A_40 : memref<10112x128xf32, #tpu.memory_space<vmem_shared>>) offsets(%dma_start3A_37 : memref<80xi32, #tpu.memory_space<vmem>>) semaphore(%run_scoped3A_34 : memref<!tpu.dma_semaphore, #tpu.memory_space<semaphore_mem>>) {add = true}
      %dma_wait3A_41 = arith.constant 0 : i32
      %dma_wait3A_42 = tpu.memref_slice %arg7[%run_scoped3A_32, %dma_wait3A_41] : memref<125x80xi32, #tpu.memory_space<vmem>> -> memref<1x80xi32, #tpu.memory_space<vmem>>
      %dma_wait3A_43 = tpu.memref_squeeze %dma_wait3A_42 : memref<1x80xi32, #tpu.memory_space<vmem>> -> memref<80xi32, #tpu.memory_space<vmem>>
      %dma_wait3A_44 = arith.constant 0 : i32
      %dma_wait3A_45 = arith.constant 0 : i32
      %dma_wait3A_46 = tpu.memref_slice %arg14[%dma_wait3A_44, %dma_wait3A_45] : memref<10112x128xf32, #tpu.memory_space<vmem_shared>> -> memref<10112x128xf32, #tpu.memory_space<vmem_shared>>
      tpu.wait_indirect_dma semaphore(%run_scoped3A_34 : memref<!tpu.dma_semaphore, #tpu.memory_space<semaphore_mem>>) src(%arg12 : memref<80x128xf32, #tpu.memory_space<vmem>>) dst(%dma_wait3A_46 : memref<10112x128xf32, #tpu.memory_space<vmem_shared>>)
      tpu.yield
    }) : () -> ()
    %barrier3A_33 = arith.constant 0 : index
    tpu.barrier barrier_id(%barrier3A_33)
    "tpu.region"() ({
      %run_scoped3A_34 = tpu.sem_alloc : memref<!tpu.dma_semaphore, #tpu.memory_space<semaphore_mem>>
      %dma_start3A_35 = arith.constant 0 : i32
      %dma_start3A_36 = tpu.memref_slice %arg6[%arg0, %mul3A_2, %dma_start3A_35] : memref<2x10112x128xf32, #tpu.memory_space<hbm>> -> memref<1x632x128xf32, #tpu.memory_space<hbm>>
      %dma_start3A_37 = tpu.memref_squeeze %dma_start3A_36 : memref<1x632x128xf32, #tpu.memory_space<hbm>> -> memref<632x128xf32, #tpu.memory_space<hbm>>
      %dma_start3A_38 = arith.constant 0 : i32
      %dma_start3A_39 = tpu.memref_slice %arg14[%mul3A_2, %dma_start3A_38] : memref<10112x128xf32, #tpu.memory_space<vmem_shared>> -> memref<632x128xf32, #tpu.memory_space<vmem_shared>>
      tpu.enqueue_dma source(%dma_start3A_39 : memref<632x128xf32, #tpu.memory_space<vmem_shared>>) target(%dma_start3A_37 : memref<632x128xf32, #tpu.memory_space<hbm>>) target_semaphore(%run_scoped3A_34 : memref<!tpu.dma_semaphore, #tpu.memory_space<semaphore_mem>>)
      %dma_wait3A_40 = arith.constant 0 : i32
      %dma_wait3A_41 = tpu.memref_slice %arg6[%arg0, %mul3A_2, %dma_wait3A_40] : memref<2x10112x128xf32, #tpu.memory_space<hbm>> -> memref<1x632x128xf32, #tpu.memory_space<hbm>>
      %dma_wait3A_42 = tpu.memref_squeeze %dma_wait3A_41 : memref<1x632x128xf32, #tpu.memory_space<hbm>> -> memref<632x128xf32, #tpu.memory_space<hbm>>
      %dma_wait3A_43 = arith.constant 0 : i32
      %dma_wait3A_44 = tpu.memref_slice %arg14[%mul3A_2, %dma_wait3A_43] : memref<10112x128xf32, #tpu.memory_space<vmem_shared>> -> memref<632x128xf32, #tpu.memory_space<vmem_shared>>
      tpu.wait_dma2 semaphore(%run_scoped3A_34 : memref<!tpu.dma_semaphore, #tpu.memory_space<semaphore_mem>>) src(%dma_wait3A_44 : memref<632x128xf32, #tpu.memory_space<vmem_shared>>) dst(%dma_wait3A_42 : memref<632x128xf32, #tpu.memory_space<hbm>>)
      tpu.yield
    }) : () -> ()
    return
  }
}

module attributes {stable_mosaic.version = 14 : i64} {
  func.func @_mm1_body(%arg0: i32, %arg1: memref<1024x128xf32, #tpu.memory_space<vmem>>, %arg2: memref<128x128xf32, #tpu.memory_space<vmem>>, %arg3: memref<32x1024xf32, #tpu.memory_space<vmem>>, %arg4: memref<1024x128xf32, #tpu.memory_space<vmem>>) attributes {dimension_semantics = [#tpu.dimension_semantics<arbitrary>], iteration_bounds = array<i64: 10>, scalar_prefetch = 0 : i64, scratch_operands = 0 : i64, tpu.core_type = #tpu.core_type<tc>, window_params = [{transform_indices = @transform_0, window_bounds = array<i64: 1024, 128>}, {pipeline_mode = #tpu.pipeline_mode<synchronous>, transform_indices = @transform_1, window_bounds = array<i64: 128, 128>}, {transform_indices = @transform_2, window_bounds = array<i64: 32, 1024>}, {transform_indices = @transform_3, window_bounds = array<i64: 1024, 128>}]} {
    %get3A = arith.constant 0 : index
    %get3A_0 = arith.constant 0 : index
    %get3A_1 = vector.load %arg3[%get3A, %get3A_0] : memref<32x1024xf32, #tpu.memory_space<vmem>>, vector<32x1024xf32>
    %reduce_sum3A = arith.constant dense<0.000000e+00> : vector<1024xf32>
    %reduce_sum3A_2 = vector.multi_reduction <add>, %get3A_1, %reduce_sum3A [0] : vector<32x1024xf32> to vector<1024xf32>
    %broadcast_in_dim3A = vector.shape_cast %reduce_sum3A_2 : vector<1024xf32> to vector<1x1024xf32>
    %add3A = arith.constant 1.000000e+00 : f32
    %add3A_3 = vector.broadcast %add3A : f32 to vector<1x1024xf32>
    %add3A_4 = arith.addf %broadcast_in_dim3A, %add3A_3 : vector<1x1024xf32>
    %rsqrt3A = math.rsqrt %add3A_4 : vector<1x1024xf32>
    %broadcast_in_dim3A_5 = arith.constant 1.000000e+00 : f32
    %broadcast_in_dim3A_6 = vector.broadcast %broadcast_in_dim3A_5 : f32 to vector<1x1xf32>
    %dot_general3A = arith.constant dense<0.000000e+00> : vector<1024x1xf32>
    %dot_general3A_7 = tpu.matmul %rsqrt3A, %broadcast_in_dim3A_6, %dot_general3A {dimension_numbers = #tpu.dot_dimension_numbers<[0], [0], [1], [1], [0, 1, 1, 1], [], []>, transpose_lhs_hint = false} : vector<1x1024xf32>, vector<1x1xf32>, vector<1024x1xf32> -> vector<1024x1xf32>
    %get3A_8 = arith.constant 0 : index
    %get3A_9 = arith.constant 0 : index
    %get3A_10 = vector.load %arg1[%get3A_8, %get3A_9] : memref<1024x128xf32, #tpu.memory_space<vmem>>, vector<1024x128xf32>
    %get3A_11 = arith.constant 0 : index
    %get3A_12 = arith.constant 0 : index
    %get3A_13 = vector.load %arg2[%get3A_11, %get3A_12] : memref<128x128xf32, #tpu.memory_space<vmem>>, vector<128x128xf32>
    %dot_general3A_14 = arith.constant dense<0.000000e+00> : vector<1024x128xf32>
    %dot_general3A_15 = tpu.matmul %get3A_10, %get3A_13, %dot_general3A_14 {dimension_numbers = #tpu.dot_dimension_numbers<[1], [0], [0], [1], [0, 0, 1, 1], [], []>, transpose_lhs_hint = false} : vector<1024x128xf32>, vector<128x128xf32>, vector<1024x128xf32> -> vector<1024x128xf32>
    %mul3A = vector.broadcast %dot_general3A_7 : vector<1024x1xf32> to vector<1024x128xf32>
    %mul3A_16 = arith.mulf %dot_general3A_15, %mul3A : vector<1024x128xf32>
    %swap3A = arith.constant 0 : index
    %swap3A_17 = arith.constant 0 : index
    %swap3A_18 = vector.load %arg4[%swap3A, %swap3A_17] : memref<1024x128xf32, #tpu.memory_space<vmem>>, vector<1024x128xf32>
    tpu.vector_store %arg4[%swap3A, %swap3A_17], %mul3A_16 {strides = array<i32>} : memref<1024x128xf32, #tpu.memory_space<vmem>>, vector<1024x128xf32>,
    return
  }
  func.func @transform_0(%arg0: i32) -> (i32, i32) {
    %c0_i32 = arith.constant 0 : i32
    %c0_i32_0 = arith.constant 0 : i32
    return %arg0, %c0_i32 : i32, i32
  }
  func.func @transform_1(%arg0: i32) -> (i32, i32) {
    %c0_i32 = arith.constant 0 : i32
    %c0_i32_0 = arith.constant 0 : i32
    %c0_i32_1 = arith.constant 0 : i32
    return %c0_i32, %c0_i32_0 : i32, i32
  }
  func.func @transform_2(%arg0: i32) -> (i32, i32) {
    %c0_i32 = arith.constant 0 : i32
    %c0_i32_0 = arith.constant 0 : i32
    return %c0_i32, %arg0 : i32, i32
  }
  func.func @transform_3(%arg0: i32) -> (i32, i32) {
    %c0_i32 = arith.constant 0 : i32
    %c0_i32_0 = arith.constant 0 : i32
    return %arg0, %c0_i32 : i32, i32
  }
}

module attributes {stable_mosaic.version = 14 : i64} {
  func.func @_mm2_body(%arg0: i32, %arg1: memref<1024x128xf32, #tpu.memory_space<vmem>>, %arg2: memref<1024x128xf32, #tpu.memory_space<vmem>>, %arg3: memref<1024x128xf32, #tpu.memory_space<vmem>>, %arg4: memref<32x1024xf32, #tpu.memory_space<vmem>>, %arg5: memref<1x128xf32, #tpu.memory_space<vmem>>, %arg6: memref<128x128xf32, #tpu.memory_space<vmem>>, %arg7: memref<1024x128xf32, #tpu.memory_space<vmem>>) attributes {dimension_semantics = [#tpu.dimension_semantics<arbitrary>], iteration_bounds = array<i64: 10>, scalar_prefetch = 0 : i64, scratch_operands = 0 : i64, tpu.core_type = #tpu.core_type<tc>, window_params = [{transform_indices = @transform_0, window_bounds = array<i64: 1024, 128>}, {transform_indices = @transform_1, window_bounds = array<i64: 1024, 128>}, {transform_indices = @transform_2, window_bounds = array<i64: 1024, 128>}, {transform_indices = @transform_3, window_bounds = array<i64: 32, 1024>}, {pipeline_mode = #tpu.pipeline_mode<synchronous>, transform_indices = @transform_4, window_bounds = array<i64: 1, 128>}, {pipeline_mode = #tpu.pipeline_mode<synchronous>, transform_indices = @transform_5, window_bounds = array<i64: 128, 128>}, {transform_indices = @transform_6, window_bounds = array<i64: 1024, 128>}]} {
    %get3A = arith.constant 0 : index
    %get3A_0 = arith.constant 0 : index
    %get3A_1 = vector.load %arg4[%get3A, %get3A_0] : memref<32x1024xf32, #tpu.memory_space<vmem>>, vector<32x1024xf32>
    %reduce_sum3A = arith.constant dense<0.000000e+00> : vector<1024xf32>
    %reduce_sum3A_2 = vector.multi_reduction <add>, %get3A_1, %reduce_sum3A [0] : vector<32x1024xf32> to vector<1024xf32>
    %broadcast_in_dim3A = vector.shape_cast %reduce_sum3A_2 : vector<1024xf32> to vector<1x1024xf32>
    %add3A = arith.constant 1.000000e+00 : f32
    %add3A_3 = vector.broadcast %add3A : f32 to vector<1x1024xf32>
    %add3A_4 = arith.addf %broadcast_in_dim3A, %add3A_3 : vector<1x1024xf32>
    %rsqrt3A = math.rsqrt %add3A_4 : vector<1x1024xf32>
    %broadcast_in_dim3A_5 = arith.constant 1.000000e+00 : f32
    %broadcast_in_dim3A_6 = vector.broadcast %broadcast_in_dim3A_5 : f32 to vector<1x1xf32>
    %dot_general3A = arith.constant dense<0.000000e+00> : vector<1024x1xf32>
    %dot_general3A_7 = tpu.matmul %rsqrt3A, %broadcast_in_dim3A_6, %dot_general3A {dimension_numbers = #tpu.dot_dimension_numbers<[0], [0], [1], [1], [0, 1, 1, 1], [], []>, transpose_lhs_hint = false} : vector<1x1024xf32>, vector<1x1xf32>, vector<1024x1xf32> -> vector<1024x1xf32>
    %get3A_8 = arith.constant 0 : index
    %get3A_9 = arith.constant 0 : index
    %get3A_10 = vector.load %arg1[%get3A_8, %get3A_9] : memref<1024x128xf32, #tpu.memory_space<vmem>>, vector<1024x128xf32>
    %get3A_11 = arith.constant 0 : index
    %get3A_12 = arith.constant 0 : index
    %get3A_13 = vector.load %arg2[%get3A_11, %get3A_12] : memref<1024x128xf32, #tpu.memory_space<vmem>>, vector<1024x128xf32>
    %add3A_14 = arith.addf %get3A_10, %get3A_13 : vector<1024x128xf32>
    %get3A_15 = arith.constant 0 : index
    %get3A_16 = arith.constant 0 : index
    %get3A_17 = vector.load %arg3[%get3A_15, %get3A_16] : memref<1024x128xf32, #tpu.memory_space<vmem>>, vector<1024x128xf32>
    %add3A_18 = arith.addf %add3A_14, %get3A_17 : vector<1024x128xf32>
    %mul3A = vector.broadcast %dot_general3A_7 : vector<1024x1xf32> to vector<1024x128xf32>
    %mul3A_19 = arith.mulf %add3A_18, %mul3A : vector<1024x128xf32>
    %get3A_20 = arith.constant 0 : index
    %get3A_21 = arith.constant 0 : index
    %get3A_22 = vector.load %arg5[%get3A_20, %get3A_21] : memref<1x128xf32, #tpu.memory_space<vmem>>, vector<1x128xf32>
    %add3A_23 = vector.broadcast %get3A_22 : vector<1x128xf32> to vector<1024x128xf32>
    %add3A_24 = arith.addf %mul3A_19, %add3A_23 : vector<1024x128xf32>
    %max3A = arith.constant 0.000000e+00 : f32
    %max3A_25 = vector.broadcast %max3A : f32 to vector<1024x128xf32>
    %max3A_26 = arith.maximumf %add3A_24, %max3A_25 : vector<1024x128xf32>
    %get3A_27 = arith.constant 0 : index
    %get3A_28 = arith.constant 0 : index
    %get3A_29 = vector.load %arg6[%get3A_27, %get3A_28] : memref<128x128xf32, #tpu.memory_space<vmem>>, vector<128x128xf32>
    %dot_general3A_30 = arith.constant dense<0.000000e+00> : vector<1024x128xf32>
    %dot_general3A_31 = tpu.matmul %max3A_26, %get3A_29, %dot_general3A_30 {dimension_numbers = #tpu.dot_dimension_numbers<[1], [0], [0], [1], [0, 0, 1, 1], [], []>, transpose_lhs_hint = false} : vector<1024x128xf32>, vector<128x128xf32>, vector<1024x128xf32> -> vector<1024x128xf32>
    %mul3A_32 = vector.broadcast %dot_general3A_7 : vector<1024x1xf32> to vector<1024x128xf32>
    %mul3A_33 = arith.mulf %dot_general3A_31, %mul3A_32 : vector<1024x128xf32>
    %swap3A = arith.constant 0 : index
    %swap3A_34 = arith.constant 0 : index
    %swap3A_35 = vector.load %arg7[%swap3A, %swap3A_34] : memref<1024x128xf32, #tpu.memory_space<vmem>>, vector<1024x128xf32>
    tpu.vector_store %arg7[%swap3A, %swap3A_34], %mul3A_33 {strides = array<i32>} : memref<1024x128xf32, #tpu.memory_space<vmem>>, vector<1024x128xf32>,
    return
  }
  func.func @transform_0(%arg0: i32) -> (i32, i32) {
    %c0_i32 = arith.constant 0 : i32
    %c0_i32_0 = arith.constant 0 : i32
    return %arg0, %c0_i32 : i32, i32
  }
  func.func @transform_1(%arg0: i32) -> (i32, i32) {
    %c0_i32 = arith.constant 0 : i32
    %c0_i32_0 = arith.constant 0 : i32
    return %arg0, %c0_i32 : i32, i32
  }
  func.func @transform_2(%arg0: i32) -> (i32, i32) {
    %c0_i32 = arith.constant 0 : i32
    %c0_i32_0 = arith.constant 0 : i32
    return %arg0, %c0_i32 : i32, i32
  }
  func.func @transform_3(%arg0: i32) -> (i32, i32) {
    %c0_i32 = arith.constant 0 : i32
    %c0_i32_0 = arith.constant 0 : i32
    return %c0_i32, %arg0 : i32, i32
  }
  func.func @transform_4(%arg0: i32) -> (i32, i32) {
    %c0_i32 = arith.constant 0 : i32
    %c0_i32_0 = arith.constant 0 : i32
    %c0_i32_1 = arith.constant 0 : i32
    return %c0_i32, %c0_i32_0 : i32, i32
  }
  func.func @transform_5(%arg0: i32) -> (i32, i32) {
    %c0_i32 = arith.constant 0 : i32
    %c0_i32_0 = arith.constant 0 : i32
    %c0_i32_1 = arith.constant 0 : i32
    return %c0_i32, %c0_i32_0 : i32, i32
  }
  func.func @transform_6(%arg0: i32) -> (i32, i32) {
    %c0_i32 = arith.constant 0 : i32
    %c0_i32_0 = arith.constant 0 : i32
    return %arg0, %c0_i32 : i32, i32
  }
}

module attributes {stable_mosaic.version = 14 : i64} {
  func.func @_z_body(%arg0: i32, %arg1: memref<1024x128xf32, #tpu.memory_space<vmem>>, %arg2: memref<1024x128xf32, #tpu.memory_space<vmem>>, %arg3: memref<1024x128xf32, #tpu.memory_space<vmem>>, %arg4: memref<32x1024xf32, #tpu.memory_space<vmem>>, %arg5: memref<1x128xf32, #tpu.memory_space<vmem>>, %arg6: memref<1024x128xf32, #tpu.memory_space<vmem>>, %arg7: memref<1024x64xf32, #tpu.memory_space<vmem>>) attributes {dimension_semantics = [#tpu.dimension_semantics<arbitrary>], iteration_bounds = array<i64: 10>, scalar_prefetch = 0 : i64, scratch_operands = 0 : i64, tpu.core_type = #tpu.core_type<tc>, window_params = [{transform_indices = @transform_0, window_bounds = array<i64: 1024, 128>}, {transform_indices = @transform_1, window_bounds = array<i64: 1024, 128>}, {transform_indices = @transform_2, window_bounds = array<i64: 1024, 128>}, {transform_indices = @transform_3, window_bounds = array<i64: 32, 1024>}, {pipeline_mode = #tpu.pipeline_mode<synchronous>, transform_indices = @transform_4, window_bounds = array<i64: 1, 128>}, {transform_indices = @transform_5, window_bounds = array<i64: 1024, 128>}, {transform_indices = @transform_6, window_bounds = array<i64: 1024, 64>}]} {
    %get3A = arith.constant 0 : index
    %get3A_0 = arith.constant 0 : index
    %get3A_1 = vector.load %arg4[%get3A, %get3A_0] : memref<32x1024xf32, #tpu.memory_space<vmem>>, vector<32x1024xf32>
    %reduce_sum3A = arith.constant dense<0.000000e+00> : vector<1024xf32>
    %reduce_sum3A_2 = vector.multi_reduction <add>, %get3A_1, %reduce_sum3A [0] : vector<32x1024xf32> to vector<1024xf32>
    %broadcast_in_dim3A = vector.shape_cast %reduce_sum3A_2 : vector<1024xf32> to vector<1x1024xf32>
    %add3A = arith.constant 1.000000e+00 : f32
    %add3A_3 = vector.broadcast %add3A : f32 to vector<1x1024xf32>
    %add3A_4 = arith.addf %broadcast_in_dim3A, %add3A_3 : vector<1x1024xf32>
    %rsqrt3A = math.rsqrt %add3A_4 : vector<1x1024xf32>
    %broadcast_in_dim3A_5 = arith.constant 1.000000e+00 : f32
    %broadcast_in_dim3A_6 = vector.broadcast %broadcast_in_dim3A_5 : f32 to vector<1x1xf32>
    %dot_general3A = arith.constant dense<0.000000e+00> : vector<1024x1xf32>
    %dot_general3A_7 = tpu.matmul %rsqrt3A, %broadcast_in_dim3A_6, %dot_general3A {dimension_numbers = #tpu.dot_dimension_numbers<[0], [0], [1], [1], [0, 1, 1, 1], [], []>, transpose_lhs_hint = false} : vector<1x1024xf32>, vector<1x1xf32>, vector<1024x1xf32> -> vector<1024x1xf32>
    %get3A_8 = arith.constant 0 : index
    %get3A_9 = arith.constant 0 : index
    %get3A_10 = vector.load %arg1[%get3A_8, %get3A_9] : memref<1024x128xf32, #tpu.memory_space<vmem>>, vector<1024x128xf32>
    %get3A_11 = arith.constant 0 : index
    %get3A_12 = arith.constant 0 : index
    %get3A_13 = vector.load %arg2[%get3A_11, %get3A_12] : memref<1024x128xf32, #tpu.memory_space<vmem>>, vector<1024x128xf32>
    %add3A_14 = arith.addf %get3A_10, %get3A_13 : vector<1024x128xf32>
    %get3A_15 = arith.constant 0 : index
    %get3A_16 = arith.constant 0 : index
    %get3A_17 = vector.load %arg3[%get3A_15, %get3A_16] : memref<1024x128xf32, #tpu.memory_space<vmem>>, vector<1024x128xf32>
    %add3A_18 = arith.addf %add3A_14, %get3A_17 : vector<1024x128xf32>
    %mul3A = vector.broadcast %dot_general3A_7 : vector<1024x1xf32> to vector<1024x128xf32>
    %mul3A_19 = arith.mulf %add3A_18, %mul3A : vector<1024x128xf32>
    %get3A_20 = arith.constant 0 : index
    %get3A_21 = arith.constant 0 : index
    %get3A_22 = vector.load %arg5[%get3A_20, %get3A_21] : memref<1x128xf32, #tpu.memory_space<vmem>>, vector<1x128xf32>
    %add3A_23 = vector.broadcast %get3A_22 : vector<1x128xf32> to vector<1024x128xf32>
    %add3A_24 = arith.addf %mul3A_19, %add3A_23 : vector<1024x128xf32>
    %swap3A = arith.constant 0 : index
    %swap3A_25 = arith.constant 0 : index
    %swap3A_26 = vector.load %arg6[%swap3A, %swap3A_25] : memref<1024x128xf32, #tpu.memory_space<vmem>>, vector<1024x128xf32>
    tpu.vector_store %arg6[%swap3A, %swap3A_25], %add3A_24 {strides = array<i32>} : memref<1024x128xf32, #tpu.memory_space<vmem>>, vector<1024x128xf32>,
    %slice3A = vector.extract_strided_slice %add3A_24 {offsets = [0, 0], sizes = [1024, 64], strides = [1, 1]} : vector<1024x128xf32> to vector<1024x64xf32>
    %swap3A_27 = arith.constant 0 : index
    %swap3A_28 = arith.constant 0 : index
    %swap3A_29 = vector.load %arg7[%swap3A_27, %swap3A_28] : memref<1024x64xf32, #tpu.memory_space<vmem>>, vector<1024x64xf32>
    tpu.vector_store %arg7[%swap3A_27, %swap3A_28], %slice3A {strides = array<i32>} : memref<1024x64xf32, #tpu.memory_space<vmem>>, vector<1024x64xf32>,
    return
  }
  func.func @transform_0(%arg0: i32) -> (i32, i32) {
    %c0_i32 = arith.constant 0 : i32
    %c0_i32_0 = arith.constant 0 : i32
    return %arg0, %c0_i32 : i32, i32
  }
  func.func @transform_1(%arg0: i32) -> (i32, i32) {
    %c0_i32 = arith.constant 0 : i32
    %c0_i32_0 = arith.constant 0 : i32
    return %arg0, %c0_i32 : i32, i32
  }
  func.func @transform_2(%arg0: i32) -> (i32, i32) {
    %c0_i32 = arith.constant 0 : i32
    %c0_i32_0 = arith.constant 0 : i32
    return %arg0, %c0_i32 : i32, i32
  }
  func.func @transform_3(%arg0: i32) -> (i32, i32) {
    %c0_i32 = arith.constant 0 : i32
    %c0_i32_0 = arith.constant 0 : i32
    return %c0_i32, %arg0 : i32, i32
  }
  func.func @transform_4(%arg0: i32) -> (i32, i32) {
    %c0_i32 = arith.constant 0 : i32
    %c0_i32_0 = arith.constant 0 : i32
    %c0_i32_1 = arith.constant 0 : i32
    return %c0_i32, %c0_i32_0 : i32, i32
  }
  func.func @transform_5(%arg0: i32) -> (i32, i32) {
    %c0_i32 = arith.constant 0 : i32
    %c0_i32_0 = arith.constant 0 : i32
    return %arg0, %c0_i32 : i32, i32
  }
  func.func @transform_6(%arg0: i32) -> (i32, i32) {
    %c0_i32 = arith.constant 0 : i32
    %c0_i32_0 = arith.constant 0 : i32
    return %arg0, %c0_i32 : i32, i32
  }
}

module attributes {stable_mosaic.version = 14 : i64} {
  func.func @_dec_body(%arg0: i32, %arg1: i32, %arg2: memref<1024x128xf32, #tpu.memory_space<vmem>>, %arg3: memref<4096x128xf32, #tpu.memory_space<vmem>>, %arg4: memref<1024x4096xf32, #tpu.memory_space<vmem>>) attributes {dimension_semantics = [#tpu.dimension_semantics<arbitrary>, #tpu.dimension_semantics<arbitrary>], iteration_bounds = array<i64: 10, 3>, scalar_prefetch = 0 : i64, scratch_operands = 0 : i64, tpu.core_type = #tpu.core_type<tc>, window_params = [{transform_indices = @transform_0, window_bounds = array<i64: 1024, 128>}, {transform_indices = @transform_1, window_bounds = array<i64: 4096, 128>}, {transform_indices = @transform_2, window_bounds = array<i64: 1024, 4096>}]} {
    %get3A = arith.constant 0 : index
    %get3A_0 = arith.constant 0 : index
    %get3A_1 = vector.load %arg2[%get3A, %get3A_0] : memref<1024x128xf32, #tpu.memory_space<vmem>>, vector<1024x128xf32>
    %get3A_2 = arith.constant 0 : index
    %get3A_3 = arith.constant 0 : index
    %get3A_4 = vector.load %arg3[%get3A_2, %get3A_3] : memref<4096x128xf32, #tpu.memory_space<vmem>>, vector<4096x128xf32>
    %dot_general3A = arith.constant dense<0.000000e+00> : vector<1024x4096xf32>
    %dot_general3A_5 = tpu.matmul %get3A_1, %get3A_4, %dot_general3A {dimension_numbers = #tpu.dot_dimension_numbers<[1], [1], [0], [0], [0, 0, 1, 0], [], []>, transpose_lhs_hint = false} : vector<1024x128xf32>, vector<4096x128xf32>, vector<1024x4096xf32> -> vector<1024x4096xf32>
    %mul3A = arith.constant 5.000000e-01 : f32
    %mul3A_6 = vector.broadcast %mul3A : f32 to vector<1024x4096xf32>
    %mul3A_7 = arith.mulf %mul3A_6, %dot_general3A_5 : vector<1024x4096xf32>
    %tanh3A = math.tanh %mul3A_7 : vector<1024x4096xf32>
    %mul3A_8 = arith.constant 5.000000e-01 : f32
    %mul3A_9 = vector.broadcast %mul3A_8 : f32 to vector<1024x4096xf32>
    %mul3A_10 = arith.mulf %mul3A_9, %tanh3A : vector<1024x4096xf32>
    %add3A = arith.constant 5.000000e-01 : f32
    %add3A_11 = vector.broadcast %add3A : f32 to vector<1024x4096xf32>
    %add3A_12 = arith.addf %mul3A_10, %add3A_11 : vector<1024x4096xf32>
    %swap3A = arith.constant 0 : index
    %swap3A_13 = arith.constant 0 : index
    %swap3A_14 = vector.load %arg4[%swap3A, %swap3A_13] : memref<1024x4096xf32, #tpu.memory_space<vmem>>, vector<1024x4096xf32>
    tpu.vector_store %arg4[%swap3A, %swap3A_13], %add3A_12 {strides = array<i32>} : memref<1024x4096xf32, #tpu.memory_space<vmem>>, vector<1024x4096xf32>,
    return
  }
  func.func @transform_0(%arg0: i32, %arg1: i32) -> (i32, i32) {
    %c0_i32 = arith.constant 0 : i32
    %c0_i32_0 = arith.constant 0 : i32
    return %arg0, %c0_i32 : i32, i32
  }
  func.func @transform_1(%arg0: i32, %arg1: i32) -> (i32, i32) {
    %c0_i32 = arith.constant 0 : i32
    %c0_i32_0 = arith.constant 0 : i32
    return %arg1, %c0_i32 : i32, i32
  }
  func.func @transform_2(%arg0: i32, %arg1: i32) -> (i32, i32) {
    %c0_i32 = arith.constant 0 : i32
    return %arg0, %arg1 : i32, i32
  }
}

</mosaic_0001>

<sc_bundles>
// kernel: kernel.12.cloned.1.call-start
scs
__scs_entry_jumppad:
0x0: {  	(pc) =	sbr.rel $0x88, $3  }
0x1: {  	(tag) =	ssettag $0x0;
	lr =	simm.s32 $0x1  }
0x2: {  	[smem:$0x3F9B] =	sst lr;
	_ =	strace $0xD0000000  }
0x3: {  	_ = 	snop  }
0x4: {  	_ = 	snop  }
0x5: {  	_ = 	snop  }
0x6: {  	_ = 	snop  }
0x7: {  	_ = 	snop  }
__scs_overlays_trampoline_lowered:
0x8: {  	[smem:$0x3FAA] =	sst s0  }
0x9: {  	[smem:$0x3FAB] =	sst s1  }
0xa: {  	[smem:$0x3FAC] =	sst s2  }
0xb: {  	[smem:$0x3FAD] =	sst s3  }
0xc: {  	[smem:$0x3FAE] =	sst s4  }
0xd: {  	[smem:$0x3FAF] =	sst s5  }
0xe: {  	[smem:$0x3FB0] =	sst s6  }
0xf: {  	[smem:$0x3FB1] =	sst s7  }
0x10: {  	[smem:$0x3FB2] =	sst s8  }
0x11: {  	[smem:$0x3FB3] =	sst s9;
	s0 =	simm.s32 @!p0 $0x0  }
0x12: {  	s1 =	sld [smem:$0x3F99];
	s0 =	simm.s32 @p0 $0x1  }
0x13: {  	[smem:$0x3FB4] =	sst s0;
	s0 =	simm.s32 @!p1 $0x0  }
0x14: {  	s2 =	sld [smem:$0x3F98];
	s0 =	simm.s32 @p1 $0x1  }
0x15: {  	[smem:$0x3FB5] =	sst s0;
	s0 =	simm.s32 @!p2 $0x0  }
0x16: {  	s3 =	sld [smem:$0x3FDB];
	s0 =	simm.s32 @p2 $0x1  }
0x17: {  	s4 =	simm.s32 $0x1BF5;
	[smem:$0x3FB7] =	sst s0  }
0x18: {  	s0 =	sld [smem:$0x3F9A];
	_ =	swait.ge [sflag:s4], $0x0  }
0x19: {  	s7 =	sld [smem:$0x3F9B]  }
0x1a: {  	s8 =	sadd.s32 $0xFFFFE003, lr  }
0x1b: {  	s9 =	sadd.s32 $0xFFFFFEF7, lr;
	s5 =	simm.s32 $0xFFFFFFFF;
	p2 =	slt.u32 s8, $0xFFFFF086  }
0x1c: {  	p1 =	slt.u32 s9, $0xF7A;
	s5 =	simm.s32 @!p2 $0x0  }
0x1d: {  	s5 =	simm.s32 @p1 $0x1;
	p0 =	seq.s32 s7, s2  }
0x1e: {  	s7 =	smul.u32 @!p0 $0xF7A, s2;
	p2 =	seq.s32 @!p0 s5, $0x0  }
0x1f: {  	s9 =	smul.u32 $0xF7A, s1;
	s8 =	simm.s32 @!p0 $0x1BF5;
	p2 =	por !p2, p0  }
0x20: {  	[sflag:s8] =	ssyncset.s32 @!p0 $0xFFFFF086;
	s6 =	sadd.s32 @!p0 s3, s7;
	s7 =	simm.s32 @!p0 $0x108  }
0x21: {  	s3 =	sadd.s32 s3, s9;
	s6 =	sadd.s32 @!p0 $0x88, s6;
	s7 =	simm.s32 @p2 $0x1082  }
0x22: {  	[simem:s7], [sflag:s8] =	dma.local @!p0 [hbm:s6], $0xF7A  }
0x23: {  	s9 =	sor.u32 $0xD0000000, s2;
	s6 =	simm.s32 $0x108;
	_ =	swait.ge @!p0 [sflag:s8], $0x0  }
0x24: {  	s3 =	sadd.s32 $0x88, s3;
	s6 =	simm.s32 @!p1 $0x1082;
	[sflag:s4] =	ssyncset.s32 $0xFFFFF086  }
0x25: {  	[simem:s6], [sflag:s4] =	dma.local [hbm:s3], $0xF7A  }
0x26: {  	[smem:$0x3F9B] =	sst s1;
	(tag) =	ssettag s2;
	_ =	strace s9  }
0x27: {  	s1 =	sld [smem:$0x3FAB]  }
0x28: {  	s2 =	sld [smem:$0x3FAC]  }
0x29: {  	s4 =	sld [smem:$0x3FAE]  }
0x2a: {  	p0 =	seq.s32 s5, $0x0;
	s5 =	sld [smem:$0x3FAF]  }
0x2b: {  	s6 =	sld [smem:$0x3FB0]  }
0x2c: {  	s7 =	sld [smem:$0x3FB1]  }
0x2d: {  	s3 =	simm.s32 $0x108;
	s8 =	sld [smem:$0x3FB2]  }
0x2e: {  	s3 =	simm.s32 @!p0 $0x1082;
	s9 =	sld [smem:$0x3FB3]  }
0x2f: {  	lr =	sadd.s32 s0, s3;
	s0 =	sld [smem:$0x3FAA]  }
0x30: {  	s3 =	sld [smem:$0x3FAD]  }
0x31: {  	[smem:$0x3FB6] =	sst s10  }
0x32: {  	s10 =	sld [smem:$0x3FB4];
	_ =	sdelay $0x3  }
0x33: {  	p0 =	seq.s32 s10, $0x1;
	s10 =	sld [smem:$0x3FB6];
	_ =	sdelay $0x3  }
0x34: {  	[smem:$0x3FB6] =	sst s10  }
0x35: {  	s10 =	sld [smem:$0x3FB5];
	_ =	sdelay $0x3  }
0x36: {  	p1 =	seq.s32 s10, $0x1;
	s10 =	sld [smem:$0x3FB6];
	_ =	sdelay $0x3  }
0x37: {  	[smem:$0x3FB6] =	sst s10  }
0x38: {  	s10 =	sld [smem:$0x3FB7]  }
0x39: {  	_ = 	snop;
	(pc) =	sbr.ind lr, $3  }
0x3a: {  	_ = 	snop  }
0x3b: {  	_ = 	snop  }
0x3c: {  	p2 =	seq.s32 s10, $0x1;
	s10 =	sld [smem:$0x3FB6]  }
0x3d: {  	_ =	shalt  }
0x3e: {  	_ =	shalt  }
0x3f: {  	_ =	shalt  }
0x40: {  	_ =	shalt  }
0x41: {  	_ =	shalt  }
0x42: {  	_ =	shalt  }
0x43: {  	_ =	shalt  }
0x44: {  	_ =	shalt  }
0x45: {  	_ =	shalt  }
0x46: {  	_ =	shalt  }
0x47: {  	_ =	shalt  }
0x48: {  	_ =	shalt  }
0x49: {  	_ =	shalt  }
0x4a: {  	_ =	shalt  }
0x4b: {  	_ =	shalt  }
0x4c: {  	_ =	shalt  }
0x4d: {  	_ =	shalt  }
0x4e: {  	_ =	shalt  }
0x4f: {  	_ =	shalt  }
0x50: {  	_ =	shalt  }
0x51: {  	_ =	shalt  }
0x52: {  	_ =	shalt  }
0x53: {  	_ =	shalt  }
0x54: {  	_ =	shalt  }
0x55: {  	_ =	shalt  }
0x56: {  	_ =	shalt  }
0x57: {  	_ =	shalt  }
0x58: {  	_ =	shalt  }
0x59: {  	_ =	shalt  }
0x5a: {  	_ =	shalt  }
0x5b: {  	_ =	shalt  }
0x5c: {  	_ =	shalt  }
0x5d: {  	_ =	shalt  }
0x5e: {  	_ =	shalt  }
0x5f: {  	_ =	shalt  }
0x60: {  	_ =	shalt  }
0x61: {  	_ =	shalt  }
0x62: {  	_ =	shalt  }
0x63: {  	_ =	shalt  }
0x64: {  	_ =	shalt  }
0x65: {  	_ =	shalt  }
0x66: {  	_ =	shalt  }
0x67: {  	_ =	shalt  }
0x68: {  	_ =	shalt  }
0x69: {  	_ =	shalt  }
0x6a: {  	_ =	shalt  }
0x6b: {  	_ =	shalt  }
0x6c: {  	_ =	shalt  }
0x6d: {  	_ =	shalt  }
0x6e: {  	_ =	shalt  }
0x6f: {  	_ =	shalt  }
0x70: {  	_ =	shalt  }
0x71: {  	_ =	shalt  }
0x72: {  	_ =	shalt  }
0x73: {  	_ =	shalt  }
0x74: {  	_ =	shalt  }
0x75: {  	_ =	shalt  }
0x76: {  	_ =	shalt  }
0x77: {  	_ =	shalt  }
0x78: {  	_ =	shalt  }
0x79: {  	_ =	shalt  }
0x7a: {  	_ =	shalt  }
0x7b: {  	_ =	shalt  }
0x7c: {  	_ =	shalt  }
0x7d: {  	_ =	shalt  }
0x7e: {  	_ =	shalt  }
0x7f: {  	_ =	shalt  }
0x80: {  	_ =	shalt  }
0x81: {  	_ =	shalt  }
0x82: {  	_ =	shalt  }
0x83: {  	_ =	shalt  }
0x84: {  	_ =	shalt  }
0x85: {  	_ =	shalt  }
0x86: {  	_ =	shalt  }
0x87: {  	_ =	shalt  }
.Lfunc_end0:
.L_simem_size_0:
called_computation.1_lowered:
.L_overlay_start_0:
0x88: {  	s2 =	sld [smem:$0x3FD9]  }
0x89: {  	s3 =	sld [smem:$0x3FFE];
	_ =	sdelay $0x1  }
0x8a: {  	s1 =	srdreg.scid  }
0x8b: {  	s0 =	sand.u32 $0x1, s1  }
0x8c: {  	s14 =	sshll.u32 s0, $0xA;
	s2 =	sadd.s32 s3, s2  }
0x8d: {  	s2 =	sadd.s32 s2, s14  }
0x8e: {  	[smem:$0x3FC2] =	sst s2  }
0x8f: {  	_ = 	snop  }
0x90: {  	s2 =	sld [smem:$0x3FD0];
	_ =	sdelay $0x2  }
0x91: {  	s15 =	simm.s32 $0xA;
	s4 =	simm.s32 $0x10  }
0x92: {  	[smem:s4], [sflag:s15] =	dma.local [hbm:s2], $0x1  }
0x93: {  	_ =	swait.eq [sflag:s15], $0x1  }
0x94: {  	[sflag:s15] =	ssyncset.done $0x0  }
0x95: {  	s16 =	sld [smem:$0x10];
	[sflag:s15] =	ssyncadd.s32 $0xFFFFFFFF  }
0x96: {  	s17 =	sld [smem:$0x11];
	(tm) =	ssettm $0x1  }
0x97: {  	s18 =	sld [smem:$0x3FFB];
	_ =	sdelay $0x3  }
0x98: {  	_ =	strace s18  }
0x99: {  	s4 =	sld [smem:$0x3FFC];
	_ =	sdelay $0x3  }
0x9a: {  	_ =	strace s4  }
0x9b: {  	s4 =	sld [smem:$0x3FFD];
	_ =	sdelay $0x3  }
0x9c: {  	_ =	strace s4  }
0x9d: {  	_ =	strace $0x8FFFFFFF  }
0x9e: {  	s19 =	sld [smem:$0x3FDB];
	_ =	sdelay $0x1  }
0x9f: {  	s5 =	simm.s32 $_scs_section_size  }
0xa0: {  	s6 =	simm.s32 $_size__tile_overlayer_lowered;
	s7 =	simm.s32 $_tile_overlayer_lowered  }
0xa1: {  	s22 =	simm.s32 $0x1BFF;
	s21 =	sshll.u32 s7, $0x1;
	s4 =	sadd.s32 s5, s19  }
0xa2: {  	s8 =	simm.s32 $0x0;
	s20 =	sshll.u32 s6, $0x1;
	s6 =	sadd.s32 s21, s4  }
0xa3: {  	[timem:s8], [sflag:s22] =	dma.local [hbm:s6], s20  }
0xa4: {  	_ =	swait.ge [sflag:s22], s20  }
0xa5: {  	s5 =	ssub.s32 $0x0, s20;
	[sflag:s22] =	ssyncset.done $0x0  }
0xa6: {  	[sflag:s22] =	ssyncadd.s32 s5;
	_ =	sdelay $0x1  }
0xa7: {  	s23 =	simm.s32 $0x1B8B  }
0xa8: {  	_ =	swait.ge [sflag:s23], $0x1  }
0xa9: {  	[sflag:s23] =	ssyncset.done $0x0  }
0xaa: {  	s25 =	simm.s32 $0x1B8E;
	s24 =	sld [smem:$0x3FFE];
	[sflag:s23] =	ssyncadd.s32 $0xFFFFFFFF  }
0xab: {  	s26 =	simm.s32 $execute0_lowered;
	[smem:$0x3FD2] =	sst s25  }
0xac: {  	s6 =	sshll.u32 s26, $0x1;
	_ =	strace $0x80000049;
	[dreg:$0x1] =	wrdreg $0xFFFFFFFF  }
0xad: {  	s28 =	simm.s32 $_size_execute0_lowered;
	s4 =	sadd.s32 s4, s6;
	[dreg:$0x0] =	wrdreg $0x0  }
0xae: {  	s6 =	sshll.u32 s28, $0x1;
	[dreg:$0x2] =	wrdreg s4  }
0xaf: {  	[dreg:$0x3] =	wrdreg s6  }
0xb0: {  	[dreg:$0x4] =	wrdreg $0xC0  }
0xb1: {  	_ =	task [dreg:s8], $0x5FFFF  }
0xb2: {  	[dreg:$0x1] =	wrdreg $0xFFFFFFFF  }
0xb3: {  	[dreg:$0x0] =	wrdreg $0x60  }
0xb4: {  	[dreg:$0x2] =	wrdreg s24  }
0xb5: {  	[dreg:$0x3] =	wrdreg s17  }
0xb6: {  	[dreg:$0x4] =	wrdreg s16  }
0xb7: {  	[dreg:$0x5] =	wrdreg $0xB9800  }
0xb8: {  	[dreg:$0x6] =	wrdreg $0x9  }
0xb9: {  	_ =	task.clear_ibuf [dreg:s8], $0x7FFFF;
	_ =	strace $0x90000049  }
0xba: {  	s29 =	simm.s32 $0x9;
	_ =	strace $0x8000004B  }
0xbb: {  	_ =	swait.ge [sflag:s29], $0x1  }
0xbc: {  	[sflag:s29] =	ssyncadd.s32 $0xFFFFFFFF  }
0xbd: {  	_ =	strace $0x9000004B  }
0xbe: {  	_ =	sfence  }
0xbf: {  	s30 =	sld [smem:$0x0];
	_ =	sdelay $0x2  }
0xc0: {  	s31 =	sshll.u32 s1, $0xD;
	s1 =	sshrl.u32 s1, $0x2  }
0xc1: {  	s3 =	sand.u32 $0x4000, s31;
	s1 =	sadd.s32 s1, s30  }
0xc2: {  	s0 =	sor.u32 s3, s0;
	s1 =	sshll.u32 s1, $0x11  }
0xc3: {  	s0 =	sor.u32 s1, s0  }
0xc4: {  	s0 =	sadd.s32 $0x8F2B, s0  }
0xc5: {  	[sflag:s0] =	ssyncadd.remote.s32 $0x1  }
0xc6: {  	_ =	sfence.sel $0xFFFF  }
0xc7: {  	[dreg:$0x0] =	wrdreg $0xFFFFFFFF;
	(pc) =	sbr.abs _section_cstart, $3  }
0xc8: {  	[dreg:$0x1] =	wrdreg $0xFFFFFFFF  }
0xc9: {  	_ =	task.clear_ibuf [dreg:s8], $0x2FFFF;
	_ =	strace $0x9FFFFFFF  }
0xca: {  	(tm) =	ssettm $0x7FFFFFFF  }
0xcb: {  	_ =	shalt  }
tec
execute0_lowered:
.L_overlay_start_1:
0x0: {  	(tag) =	ssettag $0x1  }
0x1: {  	s0 =	rddreg [dreg:$0x0]  }
0x2: {  	s1 =	rddreg [dreg:$0x1]  }
0x3: {  	s6 =	rddreg [dreg:$0x2]  }
0x4: {  	s2 =	rddreg [dreg:$0x3];
	s3 =	simm.s32 $0x0  }
0x5: {  	s14 =	stileid.u32;
	s7 =	srdreg.scid;
	s28 =	simm.s32 $0x6  }
0x6: {  	s29 =	simm.s32 $0x1;
	s30 =	simm.s32 $0x9180;
	s31 =	simm.s32 $0x4  }
0x7: {  	[smem:$0x7FF] =	sst s3;
	s8 =	smul.u32 $0x13C00, s14;
	s4 =	sadd.s32 $0xCE00, s0  }
0x8: {  	s5 =	sadd.s32 $0x16C00, s0;
	s10 =	sand.u32 $0x1, s7;
	s12 =	smul.u32 $0x4F000, s14  }
0x9: {  	s11 =	sshll.u32 s14, $0x1;
	s17 =	smul.u32 $0x4E20, s14;
	_ =	strace $0x8000004A  }
0xa: {  	s7 =	ssub.s32 $0x2, s10;
	s11 =	sor.u32 s10, s11;
	s19 =	smul.u32 $0x2710, s10  }
0xb: {  	s9 =	sshrl.u32 s8, $0x3;
	s24 =	sshrl.u32 s7, $0x1;
	s25 =	smul.u32 $0x2710, s11  }
0xc: {  	s26 =	sshrl.u32 s12, $0x2;
	s11 =	sshll.u32 s11, $0xB;
	s12 =	smul.u32 $0x13C000, s10  }
0xd: {  	s0 =	sadd.s32 s9, s0;
	s13 =	ssub.s32 s7, s24;
	s16 =	sadd.s32 s26, s2  }
0xe: {  	s7 =	sshll.u32 s14, $0x6;
	s23 =	sadd.s32 s19, s17;
	s0 =	sadd.s32 $0x3DE00, s0  }
0xf: {  	s7 =	sor.u32 $0x1C07, s7;
	s15 =	sshrl.u32 s25, $0x3;
	s18 =	sadd.s32 s8, s12  }
0x10: {  	s22 =	smax.u32 s13, $0x1;
	s25 =	sadd.s32 $0x140, s23;
	s26 =	sadd.s32 $0x190, s23  }
0x11: {  	s13 =	sadd.s32 $0xF0, s23;
	s19 =	sshrl.u32 s16, $0x3;
	s23 =	simm.s32 $0x50  }
0x12: {  	s8 =	simm.s32 $0x0;
	[dreg:$0x5] =	wrdreg s0;
	s0 =	sadd.s32 s1, s11  }
0x13: {  	s9 =	sadd.s32 s4, s15;
	[dreg:$0xb] =	wrdreg s22;
	s1 =	sshrl.u32 s25, $0x3  }
0x14: {  	s22 =	simm.s32 $0x4080;
	s25 =	simm.s32 $0x6980;
	[dreg:$0x6] =	wrdreg s0  }
0x15: {  	s20 =	sadd.s32 $0xA, s9;
	s21 =	sadd.s32 $0x14, s9;
	[dreg:$0x7] =	wrdreg s9  }
0x16: {  	s0 =	sshrl.u32 s18, $0x3;
	s24 =	sadd.s32 $0x4CE, s9;
	[dreg:$0x8] =	wrdreg s20  }
0x17: {  	s15 =	sadd.s32 $0x4D8, s9;
	s12 =	sadd.s32 s1, s4;
	[dreg:$0x9] =	wrdreg s21  }
0x18: {  	s1 =	simm.s32 $0x5;
	s0 =	sadd.s32 s6, s0;
	[dreg:$0xc] =	wrdreg s24  }
0x19: {  	s6 =	sshrl.u32 s26, $0x3;
	s20 =	simm.s32 $0x7;
	s21 =	simm.s32 $0x4000  }
0x1a: {  	s24 =	simm.s32 $0x4180;
	s26 =	simm.s32 $0x4100;
	[dreg:$0xa] =	wrdreg s0  }
0x1b: {  	s18 =	sadd.s32 s6, s4;
	s0 =	simm.s32 $0x2;
	s6 =	simm.s32 $0x3  }
.LBB2_1:
0x1c: {  	s9 =	rddreg [dreg:$0x5]  }
0x1d: {  	[spmem:s19], [sflag:s7] =	dma.local [hbm:s9], $0x2780  }
0x1e: {  	_ =	swait.ge [sflag:s20], $0x2780  }
0x1f: {  	[sflag:s20] =	ssyncset.done $0x0  }
0x20: {  	s16 =	rddreg [dreg:$0x6];
	[sflag:s20] =	ssyncadd.s32 $0xFFFFD880  }
0x21: {  	[tilespmem:s3], [sflag:$0x7] =	stream.linear.gather [hbm4b:s16+s3], $0x3E80, $0x38;
	[tilespmem:$0x1F580] =	vst v63  }
0x22: {  	_ =	swait.ge [sflag:s20], $0x3E80  }
0x23: {  	[sflag:s20] =	ssyncset.done $0x0  }
0x24: {  	[sflag:s20] =	ssyncadd.s32 $0xFFFFC180  }
0x25: {  	[bflag:$0x0] =	sbarrier.arrive $0xFFFF  }
0x26: {  	s17 =	rddreg [dreg:$0x7]  }
0x27: {  	[tilespmem:s21], [sflag:$0x7] =	stream.linear.gather [hbm4b:s17+s3], $0x50, $0x38;
	[tilespmem:$0x1F580] =	vst v63  }
0x28: {  	_ =	swait.ge [sflag:s20], $0x50  }
0x29: {  	[sflag:s20] =	ssyncset.done $0x0  }
0x2a: {  	s10 =	rddreg [dreg:$0x8];
	[sflag:s20] =	ssyncadd.s32 $0xFFFFFFB0  }
0x2b: {  	[tilespmem:s22], [sflag:$0x7] =	stream.linear.gather [hbm4b:s10+s3], $0x50, $0x38;
	[tilespmem:$0x1F580] =	vst v63  }
0x2c: {  	_ =	swait.ge [sflag:s20], $0x50  }
0x2d: {  	[sflag:s20] =	ssyncset.done $0x0  }
0x2e: {  	[sflag:s20] =	ssyncadd.s32 $0xFFFFFFB0  }
0x2f: {  	[tilespmem:s24], [sflag:$0x1] =	stream.indirect.gather [hbm4b:s5+s23], $0x80, s21, s23, $0xb8;
	[tilespmem:$0x1F580] =	vst v63  }
0x30: {  	_ = 	snop  }
0x31: {  	[tilespmem:s25], [sflag:$0x2] =	stream.indirect.gather [hbm4b:s5+s23], $0x80, s22, s23, $0xb8;
	[tilespmem:$0x1F580] =	vst v63  }
0x32: {  	s11 =	rddreg [dreg:$0x9]  }
0x33: {  	[tilespmem:s26], [sflag:$0x6] =	stream.linear.gather [hbm4b:s11+s3], $0x50, $0x38;
	[tilespmem:$0x1F580] =	vst v63  }
0x34: {  	_ =	swait.ge [sflag:s28], $0x50  }
0x35: {  	[sflag:s28] =	ssyncset.done $0x0  }
0x36: {  	[sflag:s28] =	ssyncadd.s32 $0xFFFFFFB0  }
0x37: {  	_ =	swait.ge [sflag:s29], $0x2800  }
0x38: {  	[sflag:s29] =	ssyncset.done $0x0  }
0x39: {  	s10 =	sshrl.u32 s13, $0x3;
	[sflag:s29] =	ssyncadd.s32 $0xFFFFD800  }
0x3a: {  	[tilespmem:s30], [sflag:$0x3] =	stream.indirect.gather [hbm4b:s5+s23], $0x80, s26, s23, $0xb8;
	[tilespmem:$0x1F580] =	vst v63  }
0x3b: {  	s10 =	sadd.s32 s4, s10  }
0x3c: {  	[tilespmem:s21], [sflag:$0x4] =	stream.linear.gather [hbm4b:s10+s3], $0x50, $0x38;
	[tilespmem:$0x1F580] =	vst v63  }
0x3d: {  	s14 =	simm.s32 $0x0  }
0x3e: {  	[spmem:s2] =	stream.indirect.scatter.add.f32 [tilespmem:s24], [sflag:$0x7], $0x80, s14, s23, $0xb8;
	[tilespmem:$0x1F580] =	vst v63  }
0x3f: {  	_ =	swait.ge [sflag:s20], $0x2800  }
0x40: {  	[sflag:s20] =	ssyncset.done $0x0  }
0x41: {  	[sflag:s20] =	ssyncadd.s32 $0xFFFFD800  }
0x42: {  	_ =	swait.ge [sflag:s31], $0x50  }
0x43: {  	[sflag:s31] =	ssyncset.done $0x0  }
0x44: {  	[sflag:s31] =	ssyncadd.s32 $0xFFFFFFB0  }
0x45: {  	_ =	swait.ge [sflag:s0], $0x2800  }
0x46: {  	[sflag:s0] =	ssyncset.done $0x0  }
0x47: {  	[sflag:s0] =	ssyncadd.s32 $0xFFFFD800  }
0x48: {  	[tilespmem:s24], [sflag:$0x1] =	stream.indirect.gather [hbm4b:s5+s23], $0x80, s21, s23, $0xb8;
	[tilespmem:$0x1F580] =	vst v63  }
0x49: {  	_ = 	snop  }
0x4a: {  	[tilespmem:s22], [sflag:$0x5] =	stream.linear.gather [hbm4b:s12+s3], $0x50, $0x38;
	[tilespmem:$0x1F580] =	vst v63  }
0x4b: {  	s16 =	simm.s32 $0x80  }
0x4c: {  	[spmem:s2] =	stream.indirect.scatter.add.f32 [tilespmem:s25], [sflag:$0x7], $0x80, s16, s23, $0xb8;
	[tilespmem:$0x1F580] =	vst v63  }
0x4d: {  	_ =	swait.ge [sflag:s20], $0x2800  }
0x4e: {  	[sflag:s20] =	ssyncset.done $0x0  }
0x4f: {  	[sflag:s20] =	ssyncadd.s32 $0xFFFFD800  }
0x50: {  	_ =	swait.ge [sflag:s1], $0x50  }
0x51: {  	[sflag:s1] =	ssyncset.done $0x0  }
0x52: {  	[sflag:s1] =	ssyncadd.s32 $0xFFFFFFB0  }
0x53: {  	_ =	swait.ge [sflag:s6], $0x2800  }
0x54: {  	[sflag:s6] =	ssyncset.done $0x0  }
0x55: {  	[sflag:s6] =	ssyncadd.s32 $0xFFFFD800  }
0x56: {  	[tilespmem:s25], [sflag:$0x2] =	stream.indirect.gather [hbm4b:s5+s23], $0x80, s22, s23, $0xb8;
	[tilespmem:$0x1F580] =	vst v63  }
0x57: {  	_ = 	snop  }
0x58: {  	[tilespmem:s26], [sflag:$0x6] =	stream.linear.gather [hbm4b:s18+s3], $0x50, $0x38;
	[tilespmem:$0x1F580] =	vst v63  }
0x59: {  	s17 =	simm.s32 $0x100  }
0x5a: {  	[spmem:s2] =	stream.indirect.scatter.add.f32 [tilespmem:s30], [sflag:$0x7], $0x80, s17, s23, $0xb8;
	[tilespmem:$0x1F580] =	vst v63  }
0x5b: {  	s11 =	sadd.s32 $0x1E, s18;
	s10 =	simm.s32 $0x600;
	_ =	swait.ge [sflag:s20], $0x2800  }
0x5c: {  	s16 =	smov.u32 s12;
	s17 =	smov.u32 s13;
	[sflag:s20] =	ssyncset.done $0x0  }
.LBB2_2:
0x5d: {  	[sflag:s20] =	ssyncadd.s32 $0xFFFFD800;
	s16 =	sadd.s32 $0x1E, s16;
	s17 =	sadd.s32 $0xF0, s17  }
0x5e: {  	p0 =	sne.s32 s10, $0xEA00;
	s14 =	smov.u32 s10;
	s10 =	sadd.s32 $0x600, s10  }
0x5f: {  	_ =	swait.ge [sflag:s28], $0x50  }
0x60: {  	[sflag:s28] =	ssyncset.done $0x0  }
0x61: {  	[sflag:s28] =	ssyncadd.s32 $0xFFFFFFB0  }
0x62: {  	_ =	swait.ge [sflag:s29], $0x2800  }
0x63: {  	[sflag:s29] =	ssyncset.done $0x0  }
0x64: {  	s9 =	sshrl.u32 s17, $0x3;
	[sflag:s29] =	ssyncadd.s32 $0xFFFFD800  }
0x65: {  	[tilespmem:s30], [sflag:$0x3] =	stream.indirect.gather [hbm4b:s5+s23], $0x80, s26, s23, $0xb8;
	[tilespmem:$0x1F580] =	vst v63  }
0x66: {  	s9 =	sadd.s32 s4, s9  }
0x67: {  	[tilespmem:s21], [sflag:$0x4] =	stream.linear.gather [hbm4b:s9+s3], $0x50, $0x38;
	[tilespmem:$0x1F580] =	vst v63  }
0x68: {  	s9 =	sshra.s32 s14, $0x2  }
0x69: {  	[spmem:s2] =	stream.indirect.scatter.add.f32 [tilespmem:s24], [sflag:$0x7], $0x80, s9, s23, $0xb8;
	[tilespmem:$0x1F580] =	vst v63  }
0x6a: {  	_ =	swait.ge [sflag:s20], $0x2800  }
0x6b: {  	[sflag:s20] =	ssyncset.done $0x0  }
0x6c: {  	[sflag:s20] =	ssyncadd.s32 $0xFFFFD800  }
0x6d: {  	_ =	swait.ge [sflag:s31], $0x50  }
0x6e: {  	[sflag:s31] =	ssyncset.done $0x0  }
0x6f: {  	[sflag:s31] =	ssyncadd.s32 $0xFFFFFFB0  }
0x70: {  	_ =	swait.ge [sflag:s0], $0x2800  }
0x71: {  	[sflag:s0] =	ssyncset.done $0x0  }
0x72: {  	[sflag:s0] =	ssyncadd.s32 $0xFFFFD800  }
0x73: {  	[tilespmem:s24], [sflag:$0x1] =	stream.indirect.gather [hbm4b:s5+s23], $0x80, s21, s23, $0xb8;
	[tilespmem:$0x1F580] =	vst v63  }
0x74: {  	_ = 	snop  }
0x75: {  	[tilespmem:s22], [sflag:$0x5] =	stream.linear.gather [hbm4b:s16+s3], $0x50, $0x38;
	[tilespmem:$0x1F580] =	vst v63  }
0x76: {  	s14 =	sadd.s32 $0x80, s9  }
0x77: {  	[spmem:s2] =	stream.indirect.scatter.add.f32 [tilespmem:s25], [sflag:$0x7], $0x80, s14, s23, $0xb8;
	[tilespmem:$0x1F580] =	vst v63  }
0x78: {  	_ =	swait.ge [sflag:s20], $0x2800  }
0x79: {  	[sflag:s20] =	ssyncset.done $0x0  }
0x7a: {  	[sflag:s20] =	ssyncadd.s32 $0xFFFFD800  }
0x7b: {  	_ =	swait.ge [sflag:s1], $0x50  }
0x7c: {  	[sflag:s1] =	ssyncset.done $0x0  }
0x7d: {  	[sflag:s1] =	ssyncadd.s32 $0xFFFFFFB0  }
0x7e: {  	_ =	swait.ge [sflag:s6], $0x2800  }
0x7f: {  	[sflag:s6] =	ssyncset.done $0x0  }
0x80: {  	[sflag:s6] =	ssyncadd.s32 $0xFFFFD800  }
0x81: {  	[tilespmem:s25], [sflag:$0x2] =	stream.indirect.gather [hbm4b:s5+s23], $0x80, s22, s23, $0xb8;
	[tilespmem:$0x1F580] =	vst v63  }
0x82: {  	_ = 	snop  }
0x83: {  	[tilespmem:s26], [sflag:$0x6] =	stream.linear.gather [hbm4b:s11+s3], $0x50, $0x38;
	[tilespmem:$0x1F580] =	vst v63  }
.Ltmp0:
0x84: {  	_ = 	snop;
	(pc) =	sbr.rel @p0 .LBB2_2-.Ltmp0, $4  }
0x85: {  	s9 =	sadd.s32 $0x100, s9  }
0x86: {  	[spmem:s2] =	stream.indirect.scatter.add.f32 [tilespmem:s30], [sflag:$0x7], $0x80, s9, s23, $0xb8;
	[tilespmem:$0x1F580] =	vst v63  }
0x87: {  	_ =	swait.ge [sflag:s20], $0x2800  }
0x88: {  	s11 =	sadd.s32 $0x1E, s11;
	[sflag:s20] =	ssyncset.done $0x0  }
0x89: {  	[sflag:s20] =	ssyncadd.s32 $0xFFFFD800  }
0x8a: {  	_ =	swait.ge [sflag:s28], $0x50  }
0x8b: {  	[sflag:s28] =	ssyncset.done $0x0  }
0x8c: {  	[sflag:s28] =	ssyncadd.s32 $0xFFFFFFB0  }
0x8d: {  	_ =	swait.ge [sflag:s29], $0x2800  }
0x8e: {  	[sflag:s29] =	ssyncset.done $0x0  }
0x8f: {  	[sflag:s29] =	ssyncadd.s32 $0xFFFFD800  }
0x90: {  	[tilespmem:s30], [sflag:$0x3] =	stream.indirect.gather [hbm4b:s5+s23], $0x80, s26, s23, $0xb8;
	[tilespmem:$0x1F580] =	vst v63  }
0x91: {  	s9 =	rddreg [dreg:$0xc]  }
0x92: {  	[tilespmem:s21], [sflag:$0x4] =	stream.linear.gather [hbm4b:s9+s3], $0x50, $0x38;
	[tilespmem:$0x1F580] =	vst v63  }
0x93: {  	s16 =	simm.s32 $0x3C00  }
0x94: {  	[spmem:s2] =	stream.indirect.scatter.add.f32 [tilespmem:s24], [sflag:$0x7], $0x80, s16, s23, $0xb8;
	[tilespmem:$0x1F580] =	vst v63  }
0x95: {  	_ =	swait.ge [sflag:s20], $0x2800  }
0x96: {  	[sflag:s20] =	ssyncset.done $0x0  }
0x97: {  	[sflag:s20] =	ssyncadd.s32 $0xFFFFD800  }
0x98: {  	_ =	swait.ge [sflag:s31], $0x50  }
0x99: {  	[sflag:s31] =	ssyncset.done $0x0  }
0x9a: {  	[sflag:s31] =	ssyncadd.s32 $0xFFFFFFB0  }
0x9b: {  	_ =	swait.ge [sflag:s0], $0x2800  }
0x9c: {  	[sflag:s0] =	ssyncset.done $0x0  }
0x9d: {  	[sflag:s0] =	ssyncadd.s32 $0xFFFFD800  }
0x9e: {  	[tilespmem:s24], [sflag:$0x1] =	stream.indirect.gather [hbm4b:s5+s23], $0x80, s21, s23, $0xb8;
	[tilespmem:$0x1F580] =	vst v63  }
0x9f: {  	_ = 	snop  }
0xa0: {  	[tilespmem:s22], [sflag:$0x5] =	stream.linear.gather [hbm4b:s15+s3], $0x50, $0x38;
	[tilespmem:$0x1F580] =	vst v63  }
0xa1: {  	s17 =	simm.s32 $0x3C80  }
0xa2: {  	[spmem:s2] =	stream.indirect.scatter.add.f32 [tilespmem:s25], [sflag:$0x7], $0x80, s17, s23, $0xb8;
	[tilespmem:$0x1F580] =	vst v63  }
0xa3: {  	_ =	swait.ge [sflag:s20], $0x2800  }
0xa4: {  	[sflag:s20] =	ssyncset.done $0x0  }
0xa5: {  	[sflag:s20] =	ssyncadd.s32 $0xFFFFD800  }
0xa6: {  	_ =	swait.ge [sflag:s1], $0x50  }
0xa7: {  	[sflag:s1] =	ssyncset.done $0x0  }
0xa8: {  	[sflag:s1] =	ssyncadd.s32 $0xFFFFFFB0  }
0xa9: {  	_ =	swait.ge [sflag:s6], $0x2800  }
0xaa: {  	[sflag:s6] =	ssyncset.done $0x0  }
0xab: {  	[sflag:s6] =	ssyncadd.s32 $0xFFFFD800  }
0xac: {  	[tilespmem:s25], [sflag:$0x2] =	stream.indirect.gather [hbm4b:s5+s23], $0x80, s22, s23, $0xb8;
	[tilespmem:$0x1F580] =	vst v63  }
0xad: {  	_ = 	snop  }
0xae: {  	[tilespmem:s26], [sflag:$0x6] =	stream.linear.gather [hbm4b:s15+s3], $0x50, $0x38;
	[tilespmem:$0x1F580] =	vst v63  }
0xaf: {  	s10 =	simm.s32 $0x3D00  }
0xb0: {  	[spmem:s2] =	stream.indirect.scatter.add.f32 [tilespmem:s30], [sflag:$0x7], $0x80, s10, s23, $0xb8;
	[tilespmem:$0x1F580] =	vst v63  }
0xb1: {  	_ =	swait.ge [sflag:s20], $0x2800  }
0xb2: {  	[sflag:s20] =	ssyncset.done $0x0  }
0xb3: {  	[sflag:s20] =	ssyncadd.s32 $0xFFFFD800  }
0xb4: {  	_ =	swait.ge [sflag:s29], $0x2800  }
0xb5: {  	[sflag:s29] =	ssyncset.done $0x0  }
0xb6: {  	s11 =	simm.s32 $0x3D80;
	[sflag:s29] =	ssyncadd.s32 $0xFFFFD800  }
0xb7: {  	[spmem:s2] =	stream.indirect.scatter.add.f32 [tilespmem:s24], [sflag:$0x7], $0x80, s11, s23, $0xb8;
	[tilespmem:$0x1F580] =	vst v63  }
0xb8: {  	_ =	swait.ge [sflag:s20], $0x2800  }
0xb9: {  	[sflag:s20] =	ssyncset.done $0x0  }
0xba: {  	[sflag:s20] =	ssyncadd.s32 $0xFFFFD800  }
0xbb: {  	_ =	swait.ge [sflag:s0], $0x2800  }
0xbc: {  	[sflag:s0] =	ssyncset.done $0x0  }
0xbd: {  	[sflag:s0] =	ssyncadd.s32 $0xFFFFD800  }
0xbe: {  	_ =	swait.ge [sflag:s28], $0x50  }
0xbf: {  	[sflag:s28] =	ssyncset.done $0x0  }
0xc0: {  	s14 =	simm.s32 $0x3E00;
	[sflag:s28] =	ssyncadd.s32 $0xFFFFFFB0  }
0xc1: {  	[spmem:s2] =	stream.indirect.scatter.add.f32 [tilespmem:s25], [sflag:$0x7], $0x80, s14, s23, $0xb8;
	[tilespmem:$0x1F580] =	vst v63  }
0xc2: {  	_ =	swait.ge [sflag:s20], $0x2800  }
0xc3: {  	[sflag:s20] =	ssyncset.done $0x0  }
0xc4: {  	[sflag:s20] =	ssyncadd.s32 $0xFFFFD800  }
0xc5: {  	[bflag:$0x0] =	sbarrier.arrive $0xFFFF  }
0xc6: {  	s16 =	rddreg [dreg:$0xa]  }
0xc7: {  	[hbm:s16], [sflag:s7] =	dma.local [spmem:s19], $0x2780  }
0xc8: {  	_ =	swait.ge [sflag:s20], $0x2780  }
0xc9: {  	s8 =	sadd.s32 $0x1, s8;
	s17 =	rddreg [dreg:$0xb]  }
0xca: {  	p0 =	sne.s32 s8, s17  }
.Ltmp1:
0xcb: {  	_ = 	snop;
	(pc) =	sbr.rel @p0 .LBB2_1-.Ltmp1, $3  }
0xcc: {  	_ =	sdelay $0x1  }
0xcd: {  	[sflag:s20] =	ssyncset.done $0x0  }
0xce: {  	[sflag:s20] =	ssyncadd.s32 $0xFFFFD880  }
0xcf: {  	_ =	sfence.sel $0x180000  }
0xd0: {  	[bflag:$0x0] =	sbarrier.arrive $0xFFFF  }
0xd1: {  	_ =	strace $0x9000004A  }
0xd2: {  	s0 =	stileid.u32;
	[bflag:$0x2] =	sbarrier.arrive $0xFFFF  }
0xd3: {  	p0 =	sne.s32 s0, $0x0;
	s0 =	rddreg [dreg:$0x4]  }
0xd4: {  	s0 =	sadd.s32 @!p0 $0x100000, s0  }
0xd5: {  	[sflag:s0] =	ssyncadd.tile.s32 @!p0 $0x1;
	_ =	shalt  }
.Lfunc_end2:
_tile_overlayer_lowered:
.L_overlay_start_2:
0xd6: {  	(tag) =	ssettag $0x2  }
0xd7: {  	s0 =	rddreg [dreg:$0x0];
	s2 =	stileid.u32  }
0xd8: {  	s1 =	rddreg [dreg:$0x1];
	p0 =	sne.s32 s2, $0x0  }
0xd9: {  	s3 =	rddreg [dreg:$0x2];
	[bflag:$0x3] =	sbarrier.arrive $0xFFFF;
	s2 =	simm.s32 @!p0 $0x1C07  }
0xda: {  	[timem:s3], [sflag:s2] =	dma.local @!p0 [hbm:s0], s1  }
0xdb: {  	s0 =	simm.s32 @!p0 $0x7  }
0xdc: {  	_ =	swait.ge @!p0 [sflag:s0], s1  }
0xdd: {  	s1 =	ssub.s32 @!p0 $0x0, s1;
	[sflag:s0] =	ssyncset.done @!p0 $0x0  }
0xde: {  	[sflag:s0] =	ssyncadd.s32 @!p0 s1  }
0xdf: {  	[bflag:$0x3] =	sbarrier.arrive $0xFFFF  }
0xe0: {  	_ =	shalt  }

// kernel: kernel.15.cloned.1.call-start
scs
__scs_entry_jumppad:
0x0: {  	(pc) =	sbr.rel $0x88, $3  }
0x1: {  	(tag) =	ssettag $0x0;
	lr =	simm.s32 $0x1  }
0x2: {  	[smem:$0x3F9B] =	sst lr;
	_ =	strace $0xD0000000  }
0x3: {  	_ = 	snop  }
0x4: {  	_ = 	snop  }
0x5: {  	_ = 	snop  }
0x6: {  	_ = 	snop  }
0x7: {  	_ = 	snop  }
__scs_overlays_trampoline_lowered:
0x8: {  	[smem:$0x3FAA] =	sst s0  }
0x9: {  	[smem:$0x3FAB] =	sst s1  }
0xa: {  	[smem:$0x3FAC] =	sst s2  }
0xb: {  	[smem:$0x3FAD] =	sst s3  }
0xc: {  	[smem:$0x3FAE] =	sst s4  }
0xd: {  	[smem:$0x3FAF] =	sst s5  }
0xe: {  	[smem:$0x3FB0] =	sst s6  }
0xf: {  	[smem:$0x3FB1] =	sst s7  }
0x10: {  	[smem:$0x3FB2] =	sst s8  }
0x11: {  	[smem:$0x3FB3] =	sst s9;
	s0 =	simm.s32 @!p0 $0x0  }
0x12: {  	s1 =	sld [smem:$0x3F99];
	s0 =	simm.s32 @p0 $0x1  }
0x13: {  	[smem:$0x3FB4] =	sst s0;
	s0 =	simm.s32 @!p1 $0x0  }
0x14: {  	s2 =	sld [smem:$0x3F98];
	s0 =	simm.s32 @p1 $0x1  }
0x15: {  	[smem:$0x3FB5] =	sst s0;
	s0 =	simm.s32 @!p2 $0x0  }
0x16: {  	s3 =	sld [smem:$0x3FDB];
	s0 =	simm.s32 @p2 $0x1  }
0x17: {  	s4 =	simm.s32 $0x1BF5;
	[smem:$0x3FB7] =	sst s0  }
0x18: {  	s0 =	sld [smem:$0x3F9A];
	_ =	swait.ge [sflag:s4], $0x0  }
0x19: {  	s7 =	sld [smem:$0x3F9B]  }
0x1a: {  	s8 =	sadd.s32 $0xFFFFE003, lr  }
0x1b: {  	s9 =	sadd.s32 $0xFFFFFEF7, lr;
	s5 =	simm.s32 $0xFFFFFFFF;
	p2 =	slt.u32 s8, $0xFFFFF086  }
0x1c: {  	p1 =	slt.u32 s9, $0xF7A;
	s5 =	simm.s32 @!p2 $0x0  }
0x1d: {  	s5 =	simm.s32 @p1 $0x1;
	p0 =	seq.s32 s7, s2  }
0x1e: {  	s7 =	smul.u32 @!p0 $0xF7A, s2;
	p2 =	seq.s32 @!p0 s5, $0x0  }
0x1f: {  	s9 =	smul.u32 $0xF7A, s1;
	s8 =	simm.s32 @!p0 $0x1BF5;
	p2 =	por !p2, p0  }
0x20: {  	[sflag:s8] =	ssyncset.s32 @!p0 $0xFFFFF086;
	s6 =	sadd.s32 @!p0 s3, s7;
	s7 =	simm.s32 @!p0 $0x108  }
0x21: {  	s3 =	sadd.s32 s3, s9;
	s6 =	sadd.s32 @!p0 $0x88, s6;
	s7 =	simm.s32 @p2 $0x1082  }
0x22: {  	[simem:s7], [sflag:s8] =	dma.local @!p0 [hbm:s6], $0xF7A  }
0x23: {  	s9 =	sor.u32 $0xD0000000, s2;
	s6 =	simm.s32 $0x108;
	_ =	swait.ge @!p0 [sflag:s8], $0x0  }
0x24: {  	s3 =	sadd.s32 $0x88, s3;
	s6 =	simm.s32 @!p1 $0x1082;
	[sflag:s4] =	ssyncset.s32 $0xFFFFF086  }
0x25: {  	[simem:s6], [sflag:s4] =	dma.local [hbm:s3], $0xF7A  }
0x26: {  	[smem:$0x3F9B] =	sst s1;
	(tag) =	ssettag s2;
	_ =	strace s9  }
0x27: {  	s1 =	sld [smem:$0x3FAB]  }
0x28: {  	s2 =	sld [smem:$0x3FAC]  }
0x29: {  	s4 =	sld [smem:$0x3FAE]  }
0x2a: {  	p0 =	seq.s32 s5, $0x0;
	s5 =	sld [smem:$0x3FAF]  }
0x2b: {  	s6 =	sld [smem:$0x3FB0]  }
0x2c: {  	s7 =	sld [smem:$0x3FB1]  }
0x2d: {  	s3 =	simm.s32 $0x108;
	s8 =	sld [smem:$0x3FB2]  }
0x2e: {  	s3 =	simm.s32 @!p0 $0x1082;
	s9 =	sld [smem:$0x3FB3]  }
0x2f: {  	lr =	sadd.s32 s0, s3;
	s0 =	sld [smem:$0x3FAA]  }
0x30: {  	s3 =	sld [smem:$0x3FAD]  }
0x31: {  	[smem:$0x3FB6] =	sst s10  }
0x32: {  	s10 =	sld [smem:$0x3FB4];
	_ =	sdelay $0x3  }
0x33: {  	p0 =	seq.s32 s10, $0x1;
	s10 =	sld [smem:$0x3FB6];
	_ =	sdelay $0x3  }
0x34: {  	[smem:$0x3FB6] =	sst s10  }
0x35: {  	s10 =	sld [smem:$0x3FB5];
	_ =	sdelay $0x3  }
0x36: {  	p1 =	seq.s32 s10, $0x1;
	s10 =	sld [smem:$0x3FB6];
	_ =	sdelay $0x3  }
0x37: {  	[smem:$0x3FB6] =	sst s10  }
0x38: {  	s10 =	sld [smem:$0x3FB7]  }
0x39: {  	_ = 	snop;
	(pc) =	sbr.ind lr, $3  }
0x3a: {  	_ = 	snop  }
0x3b: {  	_ = 	snop  }
0x3c: {  	p2 =	seq.s32 s10, $0x1;
	s10 =	sld [smem:$0x3FB6]  }
0x3d: {  	_ =	shalt  }
0x3e: {  	_ =	shalt  }
0x3f: {  	_ =	shalt  }
0x40: {  	_ =	shalt  }
0x41: {  	_ =	shalt  }
0x42: {  	_ =	shalt  }
0x43: {  	_ =	shalt  }
0x44: {  	_ =	shalt  }
0x45: {  	_ =	shalt  }
0x46: {  	_ =	shalt  }
0x47: {  	_ =	shalt  }
0x48: {  	_ =	shalt  }
0x49: {  	_ =	shalt  }
0x4a: {  	_ =	shalt  }
0x4b: {  	_ =	shalt  }
0x4c: {  	_ =	shalt  }
0x4d: {  	_ =	shalt  }
0x4e: {  	_ =	shalt  }
0x4f: {  	_ =	shalt  }
0x50: {  	_ =	shalt  }
0x51: {  	_ =	shalt  }
0x52: {  	_ =	shalt  }
0x53: {  	_ =	shalt  }
0x54: {  	_ =	shalt  }
0x55: {  	_ =	shalt  }
0x56: {  	_ =	shalt  }
0x57: {  	_ =	shalt  }
0x58: {  	_ =	shalt  }
0x59: {  	_ =	shalt  }
0x5a: {  	_ =	shalt  }
0x5b: {  	_ =	shalt  }
0x5c: {  	_ =	shalt  }
0x5d: {  	_ =	shalt  }
0x5e: {  	_ =	shalt  }
0x5f: {  	_ =	shalt  }
0x60: {  	_ =	shalt  }
0x61: {  	_ =	shalt  }
0x62: {  	_ =	shalt  }
0x63: {  	_ =	shalt  }
0x64: {  	_ =	shalt  }
0x65: {  	_ =	shalt  }
0x66: {  	_ =	shalt  }
0x67: {  	_ =	shalt  }
0x68: {  	_ =	shalt  }
0x69: {  	_ =	shalt  }
0x6a: {  	_ =	shalt  }
0x6b: {  	_ =	shalt  }
0x6c: {  	_ =	shalt  }
0x6d: {  	_ =	shalt  }
0x6e: {  	_ =	shalt  }
0x6f: {  	_ =	shalt  }
0x70: {  	_ =	shalt  }
0x71: {  	_ =	shalt  }
0x72: {  	_ =	shalt  }
0x73: {  	_ =	shalt  }
0x74: {  	_ =	shalt  }
0x75: {  	_ =	shalt  }
0x76: {  	_ =	shalt  }
0x77: {  	_ =	shalt  }
0x78: {  	_ =	shalt  }
0x79: {  	_ =	shalt  }
0x7a: {  	_ =	shalt  }
0x7b: {  	_ =	shalt  }
0x7c: {  	_ =	shalt  }
0x7d: {  	_ =	shalt  }
0x7e: {  	_ =	shalt  }
0x7f: {  	_ =	shalt  }
0x80: {  	_ =	shalt  }
0x81: {  	_ =	shalt  }
0x82: {  	_ =	shalt  }
0x83: {  	_ =	shalt  }
0x84: {  	_ =	shalt  }
0x85: {  	_ =	shalt  }
0x86: {  	_ =	shalt  }
0x87: {  	_ =	shalt  }
.Lfunc_end0:
.L_simem_size_0:
called_computation.2_lowered:
.L_overlay_start_0:
0x88: {  	s2 =	sld [smem:$0x3FD9]  }
0x89: {  	s3 =	sld [smem:$0x3FFE];
	_ =	sdelay $0x1  }
0x8a: {  	s1 =	srdreg.scid  }
0x8b: {  	s0 =	sand.u32 $0x1, s1  }
0x8c: {  	s14 =	sshll.u32 s0, $0xA;
	s2 =	sadd.s32 s3, s2  }
0x8d: {  	s2 =	sadd.s32 s2, s14  }
0x8e: {  	[smem:$0x3FC2] =	sst s2  }
0x8f: {  	_ = 	snop  }
0x90: {  	s2 =	sld [smem:$0x3FD0];
	_ =	sdelay $0x2  }
0x91: {  	s15 =	simm.s32 $0xA;
	s4 =	simm.s32 $0x10  }
0x92: {  	[smem:s4], [sflag:s15] =	dma.local [hbm:s2], $0x1  }
0x93: {  	_ =	swait.eq [sflag:s15], $0x1  }
0x94: {  	[sflag:s15] =	ssyncset.done $0x0  }
0x95: {  	s16 =	sld [smem:$0x10];
	[sflag:s15] =	ssyncadd.s32 $0xFFFFFFFF  }
0x96: {  	s17 =	sld [smem:$0x11];
	(tm) =	ssettm $0x1  }
0x97: {  	s18 =	sld [smem:$0x3FFB];
	_ =	sdelay $0x3  }
0x98: {  	_ =	strace s18  }
0x99: {  	s4 =	sld [smem:$0x3FFC];
	_ =	sdelay $0x3  }
0x9a: {  	_ =	strace s4  }
0x9b: {  	s4 =	sld [smem:$0x3FFD];
	_ =	sdelay $0x3  }
0x9c: {  	_ =	strace s4  }
0x9d: {  	_ =	strace $0x8FFFFFFF  }
0x9e: {  	s19 =	sld [smem:$0x3FDB];
	_ =	sdelay $0x1  }
0x9f: {  	s5 =	simm.s32 $_scs_section_size  }
0xa0: {  	s6 =	simm.s32 $_size__tile_overlayer_lowered;
	s7 =	simm.s32 $_tile_overlayer_lowered  }
0xa1: {  	s22 =	simm.s32 $0x1BFF;
	s21 =	sshll.u32 s7, $0x1;
	s4 =	sadd.s32 s5, s19  }
0xa2: {  	s8 =	simm.s32 $0x0;
	s20 =	sshll.u32 s6, $0x1;
	s6 =	sadd.s32 s21, s4  }
0xa3: {  	[timem:s8], [sflag:s22] =	dma.local [hbm:s6], s20  }
0xa4: {  	_ =	swait.ge [sflag:s22], s20  }
0xa5: {  	s5 =	ssub.s32 $0x0, s20;
	[sflag:s22] =	ssyncset.done $0x0  }
0xa6: {  	[sflag:s22] =	ssyncadd.s32 s5;
	_ =	sdelay $0x1  }
0xa7: {  	s23 =	simm.s32 $0x1B8B  }
0xa8: {  	_ =	swait.ge [sflag:s23], $0x1  }
0xa9: {  	[sflag:s23] =	ssyncset.done $0x0  }
0xaa: {  	s25 =	simm.s32 $0x1B8E;
	s24 =	sld [smem:$0x3FFE];
	[sflag:s23] =	ssyncadd.s32 $0xFFFFFFFF  }
0xab: {  	s26 =	simm.s32 $execute0_lowered;
	[smem:$0x3FD2] =	sst s25  }
0xac: {  	s6 =	sshll.u32 s26, $0x1;
	_ =	strace $0x8000004C;
	[dreg:$0x1] =	wrdreg $0xFFFFFFFF  }
0xad: {  	s28 =	simm.s32 $_size_execute0_lowered;
	s4 =	sadd.s32 s4, s6;
	[dreg:$0x0] =	wrdreg $0x0  }
0xae: {  	s6 =	sshll.u32 s28, $0x1;
	[dreg:$0x2] =	wrdreg s4  }
0xaf: {  	[dreg:$0x3] =	wrdreg s6  }
0xb0: {  	[dreg:$0x4] =	wrdreg $0xC0  }
0xb1: {  	_ =	task [dreg:s8], $0x5FFFF  }
0xb2: {  	[dreg:$0x1] =	wrdreg $0xFFFFFFFF  }
0xb3: {  	[dreg:$0x0] =	wrdreg $0x60  }
0xb4: {  	[dreg:$0x2] =	wrdreg s24  }
0xb5: {  	[dreg:$0x3] =	wrdreg s17  }
0xb6: {  	[dreg:$0x4] =	wrdreg s16  }
0xb7: {  	[dreg:$0x5] =	wrdreg $0xB9800  }
0xb8: {  	[dreg:$0x6] =	wrdreg $0x9  }
0xb9: {  	_ =	task.clear_ibuf [dreg:s8], $0x7FFFF;
	_ =	strace $0x9000004C  }
0xba: {  	s29 =	simm.s32 $0x9;
	_ =	strace $0x8000004E  }
0xbb: {  	_ =	swait.ge [sflag:s29], $0x1  }
0xbc: {  	[sflag:s29] =	ssyncadd.s32 $0xFFFFFFFF  }
0xbd: {  	_ =	strace $0x9000004E  }
0xbe: {  	_ =	sfence  }
0xbf: {  	s30 =	sld [smem:$0x0];
	_ =	sdelay $0x2  }
0xc0: {  	s31 =	sshll.u32 s1, $0xD;
	s1 =	sshrl.u32 s1, $0x2  }
0xc1: {  	s3 =	sand.u32 $0x4000, s31;
	s1 =	sadd.s32 s1, s30  }
0xc2: {  	s0 =	sor.u32 s3, s0;
	s1 =	sshll.u32 s1, $0x11  }
0xc3: {  	s0 =	sor.u32 s1, s0  }
0xc4: {  	s0 =	sadd.s32 $0x8F2B, s0  }
0xc5: {  	[sflag:s0] =	ssyncadd.remote.s32 $0x1  }
0xc6: {  	_ =	sfence.sel $0xFFFF  }
0xc7: {  	[dreg:$0x0] =	wrdreg $0xFFFFFFFF;
	(pc) =	sbr.abs _section_cstart, $3  }
0xc8: {  	[dreg:$0x1] =	wrdreg $0xFFFFFFFF  }
0xc9: {  	_ =	task.clear_ibuf [dreg:s8], $0x2FFFF;
	_ =	strace $0x9FFFFFFF  }
0xca: {  	(tm) =	ssettm $0x7FFFFFFF  }
0xcb: {  	_ =	shalt  }
tec
execute0_lowered:
.L_overlay_start_1:
0x0: {  	(tag) =	ssettag $0x1  }
0x1: {  	s0 =	rddreg [dreg:$0x0]  }
0x2: {  	s1 =	rddreg [dreg:$0x1]  }
0x3: {  	s6 =	rddreg [dreg:$0x2]  }
0x4: {  	s2 =	rddreg [dreg:$0x3];
	s3 =	simm.s32 $0x0  }
0x5: {  	s14 =	stileid.u32;
	s7 =	srdreg.scid;
	s28 =	simm.s32 $0x6  }
0x6: {  	s29 =	simm.s32 $0x1;
	s30 =	simm.s32 $0x9180;
	s31 =	simm.s32 $0x4  }
0x7: {  	[smem:$0x7FF] =	sst s3;
	s8 =	smul.u32 $0x13C00, s14;
	s4 =	sadd.s32 $0xCE00, s0  }
0x8: {  	s5 =	sadd.s32 $0x16C00, s0;
	s10 =	sand.u32 $0x1, s7;
	s12 =	smul.u32 $0x4F000, s14  }
0x9: {  	s11 =	sshll.u32 s14, $0x1;
	s17 =	smul.u32 $0x4E20, s14;
	_ =	strace $0x8000004D  }
0xa: {  	s7 =	ssub.s32 $0x2, s10;
	s11 =	sor.u32 s10, s11;
	s19 =	smul.u32 $0x2710, s10  }
0xb: {  	s9 =	sshrl.u32 s8, $0x3;
	s24 =	sshrl.u32 s7, $0x1;
	s25 =	smul.u32 $0x2710, s11  }
0xc: {  	s26 =	sshrl.u32 s12, $0x2;
	s11 =	sshll.u32 s11, $0xB;
	s12 =	smul.u32 $0x13C000, s10  }
0xd: {  	s0 =	sadd.s32 s9, s0;
	s13 =	ssub.s32 s7, s24;
	s16 =	sadd.s32 s26, s2  }
0xe: {  	s7 =	sshll.u32 s14, $0x6;
	s23 =	sadd.s32 s19, s17;
	s0 =	sadd.s32 $0x3DE00, s0  }
0xf: {  	s7 =	sor.u32 $0x1C07, s7;
	s15 =	sshrl.u32 s25, $0x3;
	s18 =	sadd.s32 s8, s12  }
0x10: {  	s22 =	smax.u32 s13, $0x1;
	s25 =	sadd.s32 $0x140, s23;
	s26 =	sadd.s32 $0x190, s23  }
0x11: {  	s13 =	sadd.s32 $0xF0, s23;
	s19 =	sshrl.u32 s16, $0x3;
	s23 =	simm.s32 $0x50  }
0x12: {  	s8 =	simm.s32 $0x0;
	[dreg:$0x5] =	wrdreg s0;
	s0 =	sadd.s32 s1, s11  }
0x13: {  	s9 =	sadd.s32 s4, s15;
	[dreg:$0xb] =	wrdreg s22;
	s1 =	sshrl.u32 s25, $0x3  }
0x14: {  	s22 =	simm.s32 $0x4080;
	s25 =	simm.s32 $0x6980;
	[dreg:$0x6] =	wrdreg s0  }
0x15: {  	s20 =	sadd.s32 $0xA, s9;
	s21 =	sadd.s32 $0x14, s9;
	[dreg:$0x7] =	wrdreg s9  }
0x16: {  	s0 =	sshrl.u32 s18, $0x3;
	s24 =	sadd.s32 $0x4CE, s9;
	[dreg:$0x8] =	wrdreg s20  }
0x17: {  	s15 =	sadd.s32 $0x4D8, s9;
	s12 =	sadd.s32 s1, s4;
	[dreg:$0x9] =	wrdreg s21  }
0x18: {  	s1 =	simm.s32 $0x5;
	s0 =	sadd.s32 s6, s0;
	[dreg:$0xc] =	wrdreg s24  }
0x19: {  	s6 =	sshrl.u32 s26, $0x3;
	s20 =	simm.s32 $0x7;
	s21 =	simm.s32 $0x4000  }
0x1a: {  	s24 =	simm.s32 $0x4180;
	s26 =	simm.s32 $0x4100;
	[dreg:$0xa] =	wrdreg s0  }
0x1b: {  	s18 =	sadd.s32 s6, s4;
	s0 =	simm.s32 $0x2;
	s6 =	simm.s32 $0x3  }
.LBB2_1:
0x1c: {  	s9 =	rddreg [dreg:$0x5]  }
0x1d: {  	[spmem:s19], [sflag:s7] =	dma.local [hbm:s9], $0x2780  }
0x1e: {  	_ =	swait.ge [sflag:s20], $0x2780  }
0x1f: {  	[sflag:s20] =	ssyncset.done $0x0  }
0x20: {  	s16 =	rddreg [dreg:$0x6];
	[sflag:s20] =	ssyncadd.s32 $0xFFFFD880  }
0x21: {  	[tilespmem:s3], [sflag:$0x7] =	stream.linear.gather [hbm4b:s16+s3], $0x3E80, $0x38;
	[tilespmem:$0x1F580] =	vst v63  }
0x22: {  	_ =	swait.ge [sflag:s20], $0x3E80  }
0x23: {  	[sflag:s20] =	ssyncset.done $0x0  }
0x24: {  	[sflag:s20] =	ssyncadd.s32 $0xFFFFC180  }
0x25: {  	[bflag:$0x0] =	sbarrier.arrive $0xFFFF  }
0x26: {  	s17 =	rddreg [dreg:$0x7]  }
0x27: {  	[tilespmem:s21], [sflag:$0x7] =	stream.linear.gather [hbm4b:s17+s3], $0x50, $0x38;
	[tilespmem:$0x1F580] =	vst v63  }
0x28: {  	_ =	swait.ge [sflag:s20], $0x50  }
0x29: {  	[sflag:s20] =	ssyncset.done $0x0  }
0x2a: {  	s10 =	rddreg [dreg:$0x8];
	[sflag:s20] =	ssyncadd.s32 $0xFFFFFFB0  }
0x2b: {  	[tilespmem:s22], [sflag:$0x7] =	stream.linear.gather [hbm4b:s10+s3], $0x50, $0x38;
	[tilespmem:$0x1F580] =	vst v63  }
0x2c: {  	_ =	swait.ge [sflag:s20], $0x50  }
0x2d: {  	[sflag:s20] =	ssyncset.done $0x0  }
0x2e: {  	[sflag:s20] =	ssyncadd.s32 $0xFFFFFFB0  }
0x2f: {  	[tilespmem:s24], [sflag:$0x1] =	stream.indirect.gather [hbm4b:s5+s23], $0x80, s21, s23, $0xb8;
	[tilespmem:$0x1F580] =	vst v63  }
0x30: {  	_ = 	snop  }
0x31: {  	[tilespmem:s25], [sflag:$0x2] =	stream.indirect.gather [hbm4b:s5+s23], $0x80, s22, s23, $0xb8;
	[tilespmem:$0x1F580] =	vst v63  }
0x32: {  	s11 =	rddreg [dreg:$0x9]  }
0x33: {  	[tilespmem:s26], [sflag:$0x6] =	stream.linear.gather [hbm4b:s11+s3], $0x50, $0x38;
	[tilespmem:$0x1F580] =	vst v63  }
0x34: {  	_ =	swait.ge [sflag:s28], $0x50  }
0x35: {  	[sflag:s28] =	ssyncset.done $0x0  }
0x36: {  	[sflag:s28] =	ssyncadd.s32 $0xFFFFFFB0  }
0x37: {  	_ =	swait.ge [sflag:s29], $0x2800  }
0x38: {  	[sflag:s29] =	ssyncset.done $0x0  }
0x39: {  	s10 =	sshrl.u32 s13, $0x3;
	[sflag:s29] =	ssyncadd.s32 $0xFFFFD800  }
0x3a: {  	[tilespmem:s30], [sflag:$0x3] =	stream.indirect.gather [hbm4b:s5+s23], $0x80, s26, s23, $0xb8;
	[tilespmem:$0x1F580] =	vst v63  }
0x3b: {  	s10 =	sadd.s32 s4, s10  }
0x3c: {  	[tilespmem:s21], [sflag:$0x4] =	stream.linear.gather [hbm4b:s10+s3], $0x50, $0x38;
	[tilespmem:$0x1F580] =	vst v63  }
0x3d: {  	s14 =	simm.s32 $0x0  }
0x3e: {  	[spmem:s2] =	stream.indirect.scatter.add.f32 [tilespmem:s24], [sflag:$0x7], $0x80, s14, s23, $0xb8;
	[tilespmem:$0x1F580] =	vst v63  }
0x3f: {  	_ =	swait.ge [sflag:s20], $0x2800  }
0x40: {  	[sflag:s20] =	ssyncset.done $0x0  }
0x41: {  	[sflag:s20] =	ssyncadd.s32 $0xFFFFD800  }
0x42: {  	_ =	swait.ge [sflag:s31], $0x50  }
0x43: {  	[sflag:s31] =	ssyncset.done $0x0  }
0x44: {  	[sflag:s31] =	ssyncadd.s32 $0xFFFFFFB0  }
0x45: {  	_ =	swait.ge [sflag:s0], $0x2800  }
0x46: {  	[sflag:s0] =	ssyncset.done $0x0  }
0x47: {  	[sflag:s0] =	ssyncadd.s32 $0xFFFFD800  }
0x48: {  	[tilespmem:s24], [sflag:$0x1] =	stream.indirect.gather [hbm4b:s5+s23], $0x80, s21, s23, $0xb8;
	[tilespmem:$0x1F580] =	vst v63  }
0x49: {  	_ = 	snop  }
0x4a: {  	[tilespmem:s22], [sflag:$0x5] =	stream.linear.gather [hbm4b:s12+s3], $0x50, $0x38;
	[tilespmem:$0x1F580] =	vst v63  }
0x4b: {  	s16 =	simm.s32 $0x80  }
0x4c: {  	[spmem:s2] =	stream.indirect.scatter.add.f32 [tilespmem:s25], [sflag:$0x7], $0x80, s16, s23, $0xb8;
	[tilespmem:$0x1F580] =	vst v63  }
0x4d: {  	_ =	swait.ge [sflag:s20], $0x2800  }
0x4e: {  	[sflag:s20] =	ssyncset.done $0x0  }
0x4f: {  	[sflag:s20] =	ssyncadd.s32 $0xFFFFD800  }
0x50: {  	_ =	swait.ge [sflag:s1], $0x50  }
0x51: {  	[sflag:s1] =	ssyncset.done $0x0  }
0x52: {  	[sflag:s1] =	ssyncadd.s32 $0xFFFFFFB0  }
0x53: {  	_ =	swait.ge [sflag:s6], $0x2800  }
0x54: {  	[sflag:s6] =	ssyncset.done $0x0  }
0x55: {  	[sflag:s6] =	ssyncadd.s32 $0xFFFFD800  }
0x56: {  	[tilespmem:s25], [sflag:$0x2] =	stream.indirect.gather [hbm4b:s5+s23], $0x80, s22, s23, $0xb8;
	[tilespmem:$0x1F580] =	vst v63  }
0x57: {  	_ = 	snop  }
0x58: {  	[tilespmem:s26], [sflag:$0x6] =	stream.linear.gather [hbm4b:s18+s3], $0x50, $0x38;
	[tilespmem:$0x1F580] =	vst v63  }
0x59: {  	s17 =	simm.s32 $0x100  }
0x5a: {  	[spmem:s2] =	stream.indirect.scatter.add.f32 [tilespmem:s30], [sflag:$0x7], $0x80, s17, s23, $0xb8;
	[tilespmem:$0x1F580] =	vst v63  }
0x5b: {  	s11 =	sadd.s32 $0x1E, s18;
	s10 =	simm.s32 $0x600;
	_ =	swait.ge [sflag:s20], $0x2800  }
0x5c: {  	s16 =	smov.u32 s12;
	s17 =	smov.u32 s13;
	[sflag:s20] =	ssyncset.done $0x0  }
.LBB2_2:
0x5d: {  	[sflag:s20] =	ssyncadd.s32 $0xFFFFD800;
	s16 =	sadd.s32 $0x1E, s16;
	s17 =	sadd.s32 $0xF0, s17  }
0x5e: {  	p0 =	sne.s32 s10, $0xEA00;
	s14 =	smov.u32 s10;
	s10 =	sadd.s32 $0x600, s10  }
0x5f: {  	_ =	swait.ge [sflag:s28], $0x50  }
0x60: {  	[sflag:s28] =	ssyncset.done $0x0  }
0x61: {  	[sflag:s28] =	ssyncadd.s32 $0xFFFFFFB0  }
0x62: {  	_ =	swait.ge [sflag:s29], $0x2800  }
0x63: {  	[sflag:s29] =	ssyncset.done $0x0  }
0x64: {  	s9 =	sshrl.u32 s17, $0x3;
	[sflag:s29] =	ssyncadd.s32 $0xFFFFD800  }
0x65: {  	[tilespmem:s30], [sflag:$0x3] =	stream.indirect.gather [hbm4b:s5+s23], $0x80, s26, s23, $0xb8;
	[tilespmem:$0x1F580] =	vst v63  }
0x66: {  	s9 =	sadd.s32 s4, s9  }
0x67: {  	[tilespmem:s21], [sflag:$0x4] =	stream.linear.gather [hbm4b:s9+s3], $0x50, $0x38;
	[tilespmem:$0x1F580] =	vst v63  }
0x68: {  	s9 =	sshra.s32 s14, $0x2  }
0x69: {  	[spmem:s2] =	stream.indirect.scatter.add.f32 [tilespmem:s24], [sflag:$0x7], $0x80, s9, s23, $0xb8;
	[tilespmem:$0x1F580] =	vst v63  }
0x6a: {  	_ =	swait.ge [sflag:s20], $0x2800  }
0x6b: {  	[sflag:s20] =	ssyncset.done $0x0  }
0x6c: {  	[sflag:s20] =	ssyncadd.s32 $0xFFFFD800  }
0x6d: {  	_ =	swait.ge [sflag:s31], $0x50  }
0x6e: {  	[sflag:s31] =	ssyncset.done $0x0  }
0x6f: {  	[sflag:s31] =	ssyncadd.s32 $0xFFFFFFB0  }
0x70: {  	_ =	swait.ge [sflag:s0], $0x2800  }
0x71: {  	[sflag:s0] =	ssyncset.done $0x0  }
0x72: {  	[sflag:s0] =	ssyncadd.s32 $0xFFFFD800  }
0x73: {  	[tilespmem:s24], [sflag:$0x1] =	stream.indirect.gather [hbm4b:s5+s23], $0x80, s21, s23, $0xb8;
	[tilespmem:$0x1F580] =	vst v63  }
0x74: {  	_ = 	snop  }
0x75: {  	[tilespmem:s22], [sflag:$0x5] =	stream.linear.gather [hbm4b:s16+s3], $0x50, $0x38;
	[tilespmem:$0x1F580] =	vst v63  }
0x76: {  	s14 =	sadd.s32 $0x80, s9  }
0x77: {  	[spmem:s2] =	stream.indirect.scatter.add.f32 [tilespmem:s25], [sflag:$0x7], $0x80, s14, s23, $0xb8;
	[tilespmem:$0x1F580] =	vst v63  }
0x78: {  	_ =	swait.ge [sflag:s20], $0x2800  }
0x79: {  	[sflag:s20] =	ssyncset.done $0x0  }
0x7a: {  	[sflag:s20] =	ssyncadd.s32 $0xFFFFD800  }
0x7b: {  	_ =	swait.ge [sflag:s1], $0x50  }
0x7c: {  	[sflag:s1] =	ssyncset.done $0x0  }
0x7d: {  	[sflag:s1] =	ssyncadd.s32 $0xFFFFFFB0  }
0x7e: {  	_ =	swait.ge [sflag:s6], $0x2800  }
0x7f: {  	[sflag:s6] =	ssyncset.done $0x0  }
0x80: {  	[sflag:s6] =	ssyncadd.s32 $0xFFFFD800  }
0x81: {  	[tilespmem:s25], [sflag:$0x2] =	stream.indirect.gather [hbm4b:s5+s23], $0x80, s22, s23, $0xb8;
	[tilespmem:$0x1F580] =	vst v63  }
0x82: {  	_ = 	snop  }
0x83: {  	[tilespmem:s26], [sflag:$0x6] =	stream.linear.gather [hbm4b:s11+s3], $0x50, $0x38;
	[tilespmem:$0x1F580] =	vst v63  }
.Ltmp0:
0x84: {  	_ = 	snop;
	(pc) =	sbr.rel @p0 .LBB2_2-.Ltmp0, $4  }
0x85: {  	s9 =	sadd.s32 $0x100, s9  }
0x86: {  	[spmem:s2] =	stream.indirect.scatter.add.f32 [tilespmem:s30], [sflag:$0x7], $0x80, s9, s23, $0xb8;
	[tilespmem:$0x1F580] =	vst v63  }
0x87: {  	_ =	swait.ge [sflag:s20], $0x2800  }
0x88: {  	s11 =	sadd.s32 $0x1E, s11;
	[sflag:s20] =	ssyncset.done $0x0  }
0x89: {  	[sflag:s20] =	ssyncadd.s32 $0xFFFFD800  }
0x8a: {  	_ =	swait.ge [sflag:s28], $0x50  }
0x8b: {  	[sflag:s28] =	ssyncset.done $0x0  }
0x8c: {  	[sflag:s28] =	ssyncadd.s32 $0xFFFFFFB0  }
0x8d: {  	_ =	swait.ge [sflag:s29], $0x2800  }
0x8e: {  	[sflag:s29] =	ssyncset.done $0x0  }
0x8f: {  	[sflag:s29] =	ssyncadd.s32 $0xFFFFD800  }
0x90: {  	[tilespmem:s30], [sflag:$0x3] =	stream.indirect.gather [hbm4b:s5+s23], $0x80, s26, s23, $0xb8;
	[tilespmem:$0x1F580] =	vst v63  }
0x91: {  	s9 =	rddreg [dreg:$0xc]  }
0x92: {  	[tilespmem:s21], [sflag:$0x4] =	stream.linear.gather [hbm4b:s9+s3], $0x50, $0x38;
	[tilespmem:$0x1F580] =	vst v63  }
0x93: {  	s16 =	simm.s32 $0x3C00  }
0x94: {  	[spmem:s2] =	stream.indirect.scatter.add.f32 [tilespmem:s24], [sflag:$0x7], $0x80, s16, s23, $0xb8;
	[tilespmem:$0x1F580] =	vst v63  }
0x95: {  	_ =	swait.ge [sflag:s20], $0x2800  }
0x96: {  	[sflag:s20] =	ssyncset.done $0x0  }
0x97: {  	[sflag:s20] =	ssyncadd.s32 $0xFFFFD800  }
0x98: {  	_ =	swait.ge [sflag:s31], $0x50  }
0x99: {  	[sflag:s31] =	ssyncset.done $0x0  }
0x9a: {  	[sflag:s31] =	ssyncadd.s32 $0xFFFFFFB0  }
0x9b: {  	_ =	swait.ge [sflag:s0], $0x2800  }
0x9c: {  	[sflag:s0] =	ssyncset.done $0x0  }
0x9d: {  	[sflag:s0] =	ssyncadd.s32 $0xFFFFD800  }
0x9e: {  	[tilespmem:s24], [sflag:$0x1] =	stream.indirect.gather [hbm4b:s5+s23], $0x80, s21, s23, $0xb8;
	[tilespmem:$0x1F580] =	vst v63  }
0x9f: {  	_ = 	snop  }
0xa0: {  	[tilespmem:s22], [sflag:$0x5] =	stream.linear.gather [hbm4b:s15+s3], $0x50, $0x38;
	[tilespmem:$0x1F580] =	vst v63  }
0xa1: {  	s17 =	simm.s32 $0x3C80  }
0xa2: {  	[spmem:s2] =	stream.indirect.scatter.add.f32 [tilespmem:s25], [sflag:$0x7], $0x80, s17, s23, $0xb8;
	[tilespmem:$0x1F580] =	vst v63  }
0xa3: {  	_ =	swait.ge [sflag:s20], $0x2800  }
0xa4: {  	[sflag:s20] =	ssyncset.done $0x0  }
0xa5: {  	[sflag:s20] =	ssyncadd.s32 $0xFFFFD800  }
0xa6: {  	_ =	swait.ge [sflag:s1], $0x50  }
0xa7: {  	[sflag:s1] =	ssyncset.done $0x0  }
0xa8: {  	[sflag:s1] =	ssyncadd.s32 $0xFFFFFFB0  }
0xa9: {  	_ =	swait.ge [sflag:s6], $0x2800  }
0xaa: {  	[sflag:s6] =	ssyncset.done $0x0  }
0xab: {  	[sflag:s6] =	ssyncadd.s32 $0xFFFFD800  }
0xac: {  	[tilespmem:s25], [sflag:$0x2] =	stream.indirect.gather [hbm4b:s5+s23], $0x80, s22, s23, $0xb8;
	[tilespmem:$0x1F580] =	vst v63  }
0xad: {  	_ = 	snop  }
0xae: {  	[tilespmem:s26], [sflag:$0x6] =	stream.linear.gather [hbm4b:s15+s3], $0x50, $0x38;
	[tilespmem:$0x1F580] =	vst v63  }
0xaf: {  	s10 =	simm.s32 $0x3D00  }
0xb0: {  	[spmem:s2] =	stream.indirect.scatter.add.f32 [tilespmem:s30], [sflag:$0x7], $0x80, s10, s23, $0xb8;
	[tilespmem:$0x1F580] =	vst v63  }
0xb1: {  	_ =	swait.ge [sflag:s20], $0x2800  }
0xb2: {  	[sflag:s20] =	ssyncset.done $0x0  }
0xb3: {  	[sflag:s20] =	ssyncadd.s32 $0xFFFFD800  }
0xb4: {  	_ =	swait.ge [sflag:s29], $0x2800  }
0xb5: {  	[sflag:s29] =	ssyncset.done $0x0  }
0xb6: {  	s11 =	simm.s32 $0x3D80;
	[sflag:s29] =	ssyncadd.s32 $0xFFFFD800  }
0xb7: {  	[spmem:s2] =	stream.indirect.scatter.add.f32 [tilespmem:s24], [sflag:$0x7], $0x80, s11, s23, $0xb8;
	[tilespmem:$0x1F580] =	vst v63  }
0xb8: {  	_ =	swait.ge [sflag:s20], $0x2800  }
0xb9: {  	[sflag:s20] =	ssyncset.done $0x0  }
0xba: {  	[sflag:s20] =	ssyncadd.s32 $0xFFFFD800  }
0xbb: {  	_ =	swait.ge [sflag:s0], $0x2800  }
0xbc: {  	[sflag:s0] =	ssyncset.done $0x0  }
0xbd: {  	[sflag:s0] =	ssyncadd.s32 $0xFFFFD800  }
0xbe: {  	_ =	swait.ge [sflag:s28], $0x50  }
0xbf: {  	[sflag:s28] =	ssyncset.done $0x0  }
0xc0: {  	s14 =	simm.s32 $0x3E00;
	[sflag:s28] =	ssyncadd.s32 $0xFFFFFFB0  }
0xc1: {  	[spmem:s2] =	stream.indirect.scatter.add.f32 [tilespmem:s25], [sflag:$0x7], $0x80, s14, s23, $0xb8;
	[tilespmem:$0x1F580] =	vst v63  }
0xc2: {  	_ =	swait.ge [sflag:s20], $0x2800  }
0xc3: {  	[sflag:s20] =	ssyncset.done $0x0  }
0xc4: {  	[sflag:s20] =	ssyncadd.s32 $0xFFFFD800  }
0xc5: {  	[bflag:$0x0] =	sbarrier.arrive $0xFFFF  }
0xc6: {  	s16 =	rddreg [dreg:$0xa]  }
0xc7: {  	[hbm:s16], [sflag:s7] =	dma.local [spmem:s19], $0x2780  }
0xc8: {  	_ =	swait.ge [sflag:s20], $0x2780  }
0xc9: {  	s8 =	sadd.s32 $0x1, s8;
	s17 =	rddreg [dreg:$0xb]  }
0xca: {  	p0 =	sne.s32 s8, s17  }
.Ltmp1:
0xcb: {  	_ = 	snop;
	(pc) =	sbr.rel @p0 .LBB2_1-.Ltmp1, $3  }
0xcc: {  	_ =	sdelay $0x1  }
0xcd: {  	[sflag:s20] =	ssyncset.done $0x0  }
0xce: {  	[sflag:s20] =	ssyncadd.s32 $0xFFFFD880  }
0xcf: {  	_ =	sfence.sel $0x180000  }
0xd0: {  	[bflag:$0x0] =	sbarrier.arrive $0xFFFF  }
0xd1: {  	_ =	strace $0x9000004D  }
0xd2: {  	s0 =	stileid.u32;
	[bflag:$0x2] =	sbarrier.arrive $0xFFFF  }
0xd3: {  	p0 =	sne.s32 s0, $0x0;
	s0 =	rddreg [dreg:$0x4]  }
0xd4: {  	s0 =	sadd.s32 @!p0 $0x100000, s0  }
0xd5: {  	[sflag:s0] =	ssyncadd.tile.s32 @!p0 $0x1;
	_ =	shalt  }
.Lfunc_end2:
_tile_overlayer_lowered:
.L_overlay_start_2:
0xd6: {  	(tag) =	ssettag $0x2  }
0xd7: {  	s0 =	rddreg [dreg:$0x0];
	s2 =	stileid.u32  }
0xd8: {  	s1 =	rddreg [dreg:$0x1];
	p0 =	sne.s32 s2, $0x0  }
0xd9: {  	s3 =	rddreg [dreg:$0x2];
	[bflag:$0x3] =	sbarrier.arrive $0xFFFF;
	s2 =	simm.s32 @!p0 $0x1C07  }
0xda: {  	[timem:s3], [sflag:s2] =	dma.local @!p0 [hbm:s0], s1  }
0xdb: {  	s0 =	simm.s32 @!p0 $0x7  }
0xdc: {  	_ =	swait.ge @!p0 [sflag:s0], s1  }
0xdd: {  	s1 =	ssub.s32 @!p0 $0x0, s1;
	[sflag:s0] =	ssyncset.done @!p0 $0x0  }
0xde: {  	[sflag:s0] =	ssyncadd.s32 @!p0 s1  }
0xdf: {  	[bflag:$0x3] =	sbarrier.arrive $0xFFFF  }
0xe0: {  	_ =	shalt  }

// kernel: kernel.9.cloned.1.call-start
scs
__scs_entry_jumppad:
0x0: {  	(pc) =	sbr.rel $0x88, $3  }
0x1: {  	(tag) =	ssettag $0x0;
	lr =	simm.s32 $0x1  }
0x2: {  	[smem:$0x3F9B] =	sst lr;
	_ =	strace $0xD0000000  }
0x3: {  	_ = 	snop  }
0x4: {  	_ = 	snop  }
0x5: {  	_ = 	snop  }
0x6: {  	_ = 	snop  }
0x7: {  	_ = 	snop  }
__scs_overlays_trampoline_lowered:
0x8: {  	[smem:$0x3FAA] =	sst s0  }
0x9: {  	[smem:$0x3FAB] =	sst s1  }
0xa: {  	[smem:$0x3FAC] =	sst s2  }
0xb: {  	[smem:$0x3FAD] =	sst s3  }
0xc: {  	[smem:$0x3FAE] =	sst s4  }
0xd: {  	[smem:$0x3FAF] =	sst s5  }
0xe: {  	[smem:$0x3FB0] =	sst s6  }
0xf: {  	[smem:$0x3FB1] =	sst s7  }
0x10: {  	[smem:$0x3FB2] =	sst s8  }
0x11: {  	[smem:$0x3FB3] =	sst s9;
	s0 =	simm.s32 @!p0 $0x0  }
0x12: {  	s1 =	sld [smem:$0x3F99];
	s0 =	simm.s32 @p0 $0x1  }
0x13: {  	[smem:$0x3FB4] =	sst s0;
	s0 =	simm.s32 @!p1 $0x0  }
0x14: {  	s2 =	sld [smem:$0x3F98];
	s0 =	simm.s32 @p1 $0x1  }
0x15: {  	[smem:$0x3FB5] =	sst s0;
	s0 =	simm.s32 @!p2 $0x0  }
0x16: {  	s3 =	sld [smem:$0x3FDB];
	s0 =	simm.s32 @p2 $0x1  }
0x17: {  	s4 =	simm.s32 $0x1BF5;
	[smem:$0x3FB7] =	sst s0  }
0x18: {  	s0 =	sld [smem:$0x3F9A];
	_ =	swait.ge [sflag:s4], $0x0  }
0x19: {  	s7 =	sld [smem:$0x3F9B]  }
0x1a: {  	s8 =	sadd.s32 $0xFFFFE003, lr  }
0x1b: {  	s9 =	sadd.s32 $0xFFFFFEF7, lr;
	s5 =	simm.s32 $0xFFFFFFFF;
	p2 =	slt.u32 s8, $0xFFFFF086  }
0x1c: {  	p1 =	slt.u32 s9, $0xF7A;
	s5 =	simm.s32 @!p2 $0x0  }
0x1d: {  	s5 =	simm.s32 @p1 $0x1;
	p0 =	seq.s32 s7, s2  }
0x1e: {  	s7 =	smul.u32 @!p0 $0xF7A, s2;
	p2 =	seq.s32 @!p0 s5, $0x0  }
0x1f: {  	s9 =	smul.u32 $0xF7A, s1;
	s8 =	simm.s32 @!p0 $0x1BF5;
	p2 =	por !p2, p0  }
0x20: {  	[sflag:s8] =	ssyncset.s32 @!p0 $0xFFFFF086;
	s6 =	sadd.s32 @!p0 s3, s7;
	s7 =	simm.s32 @!p0 $0x108  }
0x21: {  	s3 =	sadd.s32 s3, s9;
	s6 =	sadd.s32 @!p0 $0x88, s6;
	s7 =	simm.s32 @p2 $0x1082  }
0x22: {  	[simem:s7], [sflag:s8] =	dma.local @!p0 [hbm:s6], $0xF7A  }
0x23: {  	s9 =	sor.u32 $0xD0000000, s2;
	s6 =	simm.s32 $0x108;
	_ =	swait.ge @!p0 [sflag:s8], $0x0  }
0x24: {  	s3 =	sadd.s32 $0x88, s3;
	s6 =	simm.s32 @!p1 $0x1082;
	[sflag:s4] =	ssyncset.s32 $0xFFFFF086  }
0x25: {  	[simem:s6], [sflag:s4] =	dma.local [hbm:s3], $0xF7A  }
0x26: {  	[smem:$0x3F9B] =	sst s1;
	(tag) =	ssettag s2;
	_ =	strace s9  }
0x27: {  	s1 =	sld [smem:$0x3FAB]  }
0x28: {  	s2 =	sld [smem:$0x3FAC]  }
0x29: {  	s4 =	sld [smem:$0x3FAE]  }
0x2a: {  	p0 =	seq.s32 s5, $0x0;
	s5 =	sld [smem:$0x3FAF]  }
0x2b: {  	s6 =	sld [smem:$0x3FB0]  }
0x2c: {  	s7 =	sld [smem:$0x3FB1]  }
0x2d: {  	s3 =	simm.s32 $0x108;
	s8 =	sld [smem:$0x3FB2]  }
0x2e: {  	s3 =	simm.s32 @!p0 $0x1082;
	s9 =	sld [smem:$0x3FB3]  }
0x2f: {  	lr =	sadd.s32 s0, s3;
	s0 =	sld [smem:$0x3FAA]  }
0x30: {  	s3 =	sld [smem:$0x3FAD]  }
0x31: {  	[smem:$0x3FB6] =	sst s10  }
0x32: {  	s10 =	sld [smem:$0x3FB4];
	_ =	sdelay $0x3  }
0x33: {  	p0 =	seq.s32 s10, $0x1;
	s10 =	sld [smem:$0x3FB6];
	_ =	sdelay $0x3  }
0x34: {  	[smem:$0x3FB6] =	sst s10  }
0x35: {  	s10 =	sld [smem:$0x3FB5];
	_ =	sdelay $0x3  }
0x36: {  	p1 =	seq.s32 s10, $0x1;
	s10 =	sld [smem:$0x3FB6];
	_ =	sdelay $0x3  }
0x37: {  	[smem:$0x3FB6] =	sst s10  }
0x38: {  	s10 =	sld [smem:$0x3FB7]  }
0x39: {  	_ = 	snop;
	(pc) =	sbr.ind lr, $3  }
0x3a: {  	_ = 	snop  }
0x3b: {  	_ = 	snop  }
0x3c: {  	p2 =	seq.s32 s10, $0x1;
	s10 =	sld [smem:$0x3FB6]  }
0x3d: {  	_ =	shalt  }
0x3e: {  	_ =	shalt  }
0x3f: {  	_ =	shalt  }
0x40: {  	_ =	shalt  }
0x41: {  	_ =	shalt  }
0x42: {  	_ =	shalt  }
0x43: {  	_ =	shalt  }
0x44: {  	_ =	shalt  }
0x45: {  	_ =	shalt  }
0x46: {  	_ =	shalt  }
0x47: {  	_ =	shalt  }
0x48: {  	_ =	shalt  }
0x49: {  	_ =	shalt  }
0x4a: {  	_ =	shalt  }
0x4b: {  	_ =	shalt  }
0x4c: {  	_ =	shalt  }
0x4d: {  	_ =	shalt  }
0x4e: {  	_ =	shalt  }
0x4f: {  	_ =	shalt  }
0x50: {  	_ =	shalt  }
0x51: {  	_ =	shalt  }
0x52: {  	_ =	shalt  }
0x53: {  	_ =	shalt  }
0x54: {  	_ =	shalt  }
0x55: {  	_ =	shalt  }
0x56: {  	_ =	shalt  }
0x57: {  	_ =	shalt  }
0x58: {  	_ =	shalt  }
0x59: {  	_ =	shalt  }
0x5a: {  	_ =	shalt  }
0x5b: {  	_ =	shalt  }
0x5c: {  	_ =	shalt  }
0x5d: {  	_ =	shalt  }
0x5e: {  	_ =	shalt  }
0x5f: {  	_ =	shalt  }
0x60: {  	_ =	shalt  }
0x61: {  	_ =	shalt  }
0x62: {  	_ =	shalt  }
0x63: {  	_ =	shalt  }
0x64: {  	_ =	shalt  }
0x65: {  	_ =	shalt  }
0x66: {  	_ =	shalt  }
0x67: {  	_ =	shalt  }
0x68: {  	_ =	shalt  }
0x69: {  	_ =	shalt  }
0x6a: {  	_ =	shalt  }
0x6b: {  	_ =	shalt  }
0x6c: {  	_ =	shalt  }
0x6d: {  	_ =	shalt  }
0x6e: {  	_ =	shalt  }
0x6f: {  	_ =	shalt  }
0x70: {  	_ =	shalt  }
0x71: {  	_ =	shalt  }
0x72: {  	_ =	shalt  }
0x73: {  	_ =	shalt  }
0x74: {  	_ =	shalt  }
0x75: {  	_ =	shalt  }
0x76: {  	_ =	shalt  }
0x77: {  	_ =	shalt  }
0x78: {  	_ =	shalt  }
0x79: {  	_ =	shalt  }
0x7a: {  	_ =	shalt  }
0x7b: {  	_ =	shalt  }
0x7c: {  	_ =	shalt  }
0x7d: {  	_ =	shalt  }
0x7e: {  	_ =	shalt  }
0x7f: {  	_ =	shalt  }
0x80: {  	_ =	shalt  }
0x81: {  	_ =	shalt  }
0x82: {  	_ =	shalt  }
0x83: {  	_ =	shalt  }
0x84: {  	_ =	shalt  }
0x85: {  	_ =	shalt  }
0x86: {  	_ =	shalt  }
0x87: {  	_ =	shalt  }
.Lfunc_end0:
.L_simem_size_0:
called_computation_lowered:
.L_overlay_start_0:
0x88: {  	s2 =	sld [smem:$0x3FD9]  }
0x89: {  	s3 =	sld [smem:$0x3FFE];
	_ =	sdelay $0x1  }
0x8a: {  	s1 =	srdreg.scid  }
0x8b: {  	s0 =	sand.u32 $0x1, s1  }
0x8c: {  	s14 =	sshll.u32 s0, $0xA;
	s2 =	sadd.s32 s3, s2  }
0x8d: {  	s2 =	sadd.s32 s2, s14  }
0x8e: {  	[smem:$0x3FC2] =	sst s2  }
0x8f: {  	_ = 	snop  }
0x90: {  	s2 =	sld [smem:$0x3FD0];
	_ =	sdelay $0x2  }
0x91: {  	s15 =	simm.s32 $0xA;
	s4 =	simm.s32 $0x10  }
0x92: {  	[smem:s4], [sflag:s15] =	dma.local [hbm:s2], $0x1  }
0x93: {  	_ =	swait.eq [sflag:s15], $0x1  }
0x94: {  	[sflag:s15] =	ssyncset.done $0x0  }
0x95: {  	[sflag:s15] =	ssyncadd.s32 $0xFFFFFFFF  }
0x96: {  	s16 =	sld [smem:$0x10];
	(tm) =	ssettm $0x1  }
0x97: {  	s17 =	sld [smem:$0x3FFB];
	_ =	sdelay $0x3  }
0x98: {  	_ =	strace s17  }
0x99: {  	s3 =	sld [smem:$0x3FFC];
	_ =	sdelay $0x3  }
0x9a: {  	_ =	strace s3  }
0x9b: {  	s3 =	sld [smem:$0x3FFD];
	_ =	sdelay $0x3  }
0x9c: {  	_ =	strace s3  }
0x9d: {  	_ =	strace $0x8FFFFFFF  }
0x9e: {  	s18 =	sld [smem:$0x3FDB];
	_ =	sdelay $0x1  }
0x9f: {  	s19 =	simm.s32 $_scs_section_size  }
0xa0: {  	s5 =	simm.s32 $_size__tile_overlayer_lowered;
	s6 =	simm.s32 $_tile_overlayer_lowered  }
0xa1: {  	s22 =	simm.s32 $0x1BFF;
	s21 =	sshll.u32 s6, $0x1;
	s3 =	sadd.s32 s19, s18  }
0xa2: {  	s7 =	simm.s32 $0x0;
	s20 =	sshll.u32 s5, $0x1;
	s5 =	sadd.s32 s21, s3  }
0xa3: {  	[timem:s7], [sflag:s22] =	dma.local [hbm:s5], s20  }
0xa4: {  	_ =	swait.ge [sflag:s22], s20  }
0xa5: {  	s4 =	ssub.s32 $0x0, s20;
	[sflag:s22] =	ssyncset.done $0x0  }
0xa6: {  	[sflag:s22] =	ssyncadd.s32 s4;
	_ =	sdelay $0x1  }
0xa7: {  	s23 =	simm.s32 $0x1B8B  }
0xa8: {  	_ =	swait.ge [sflag:s23], $0x1  }
0xa9: {  	[sflag:s23] =	ssyncset.done $0x0  }
0xaa: {  	s25 =	simm.s32 $0x1B8E;
	s24 =	sld [smem:$0x3FFE];
	[sflag:s23] =	ssyncadd.s32 $0xFFFFFFFF  }
0xab: {  	s26 =	simm.s32 $execute0_lowered;
	[smem:$0x3FD2] =	sst s25  }
0xac: {  	s5 =	sshll.u32 s26, $0x1;
	_ =	strace $0x80000046;
	[dreg:$0x1] =	wrdreg $0xFFFFFFFF  }
0xad: {  	s28 =	simm.s32 $_size_execute0_lowered;
	s3 =	sadd.s32 s3, s5;
	[dreg:$0x0] =	wrdreg $0x0  }
0xae: {  	s5 =	sshll.u32 s28, $0x1;
	[dreg:$0x2] =	wrdreg s3  }
0xaf: {  	[dreg:$0x3] =	wrdreg s5  }
0xb0: {  	[dreg:$0x4] =	wrdreg $0xC0  }
0xb1: {  	_ =	task [dreg:s7], $0x5FFFF  }
0xb2: {  	[dreg:$0x1] =	wrdreg $0xFFFFFFFF  }
0xb3: {  	[dreg:$0x0] =	wrdreg $0x60  }
0xb4: {  	[dreg:$0x2] =	wrdreg s24  }
0xb5: {  	[dreg:$0x3] =	wrdreg s16  }
0xb6: {  	[dreg:$0x4] =	wrdreg $0x9  }
0xb7: {  	_ =	task.clear_ibuf [dreg:s7], $0x5FFFF;
	_ =	strace $0x90000046  }
0xb8: {  	s29 =	simm.s32 $0x9;
	_ =	strace $0x80000048  }
0xb9: {  	_ =	swait.ge [sflag:s29], $0x1  }
0xba: {  	[sflag:s29] =	ssyncadd.s32 $0xFFFFFFFF  }
0xbb: {  	_ =	strace $0x90000048  }
0xbc: {  	_ =	sfence  }
0xbd: {  	s30 =	sld [smem:$0x0];
	_ =	sdelay $0x2  }
0xbe: {  	s31 =	sshll.u32 s1, $0xD;
	s1 =	sshrl.u32 s1, $0x2  }
0xbf: {  	s3 =	sand.u32 $0x4000, s31;
	s1 =	sadd.s32 s1, s30  }
0xc0: {  	s0 =	sor.u32 s3, s0;
	s1 =	sshll.u32 s1, $0x11  }
0xc1: {  	s0 =	sor.u32 s1, s0  }
0xc2: {  	s0 =	sadd.s32 $0x8F2B, s0  }
0xc3: {  	[sflag:s0] =	ssyncadd.remote.s32 $0x1  }
0xc4: {  	_ =	sfence.sel $0xFFFF  }
0xc5: {  	[dreg:$0x0] =	wrdreg $0xFFFFFFFF;
	(pc) =	sbr.abs _section_cstart, $3  }
0xc6: {  	[dreg:$0x1] =	wrdreg $0xFFFFFFFF  }
0xc7: {  	_ =	task.clear_ibuf [dreg:s7], $0x2FFFF;
	_ =	strace $0x9FFFFFFF  }
0xc8: {  	(tm) =	ssettm $0x7FFFFFFF  }
0xc9: {  	_ =	shalt  }
tec
execute0_lowered:
.L_overlay_start_1:
0x0: {  	(tag) =	ssettag $0x1  }
0x1: {  	s3 =	rddreg [dreg:$0x0]  }
0x2: {  	s1 =	srdreg.scid;
	s0 =	stileid.u32  }
0x3: {  	s5 =	rddreg [dreg:$0x1];
	s4 =	sand.u32 $0x1, s1;
	s6 =	sshll.u32 s0, $0x1  }
0x4: {  	s2 =	simm.s32 $0x0;
	s9 =	simm.s32 $0x0;
	s6 =	sor.u32 s4, s6  }
0x5: {  	s1 =	rddreg [dreg:$0x2];
	s4 =	ssub.s32 $0x2, s4;
	s7 =	smul.u32 $0x4E2, s6  }
0x6: {  	[smem:$0x7FF] =	sst s2;
	s8 =	sshrl.u32 s4, $0x1;
	s6 =	smul.u32 $0x4F0, s6  }
0x7: {  	_ =	strace $0x80000047;
	s8 =	ssub.s32 s4, s8;
	s7 =	sadd.s32 s7, s3  }
0x8: {  	s3 =	sadd.s32 $0x16C00, s3;
	s5 =	sadd.s32 s5, s6;
	s6 =	smax.u32 s8, $0x1  }
0x9: {  	v0 =	vimm.f32 $1.000000000e+00;
	s8 =	simm.s32 $0x1;
	s4 =	sadd.s32 $0x3000, s7;
	s7 =	simm.s32 $0x2780  }
.LBB2_1:
0xa: {  	[tilespmem:s7], [sflag:$0x1] =	stream.linear.gather [hbm4b:s3+s2], $0x2780, $0x38;
	[tilespmem:$0x4F00] =	vst v63  }
0xb: {  	_ =	swait.ge [sflag:s8], $0x2780  }
0xc: {  	[sflag:s8] =	ssyncset.done $0x0  }
0xd: {  	[sflag:s8] =	ssyncadd.s32 $0xFFFFD880  }
0xe: {  	[tilespmem:s2], [sflag:$0x1] =	stream.linear.gather [hbm4b:s4+s2], $0x2710, $0x38;
	[tilespmem:$0x4F00] =	vst v63  }
0xf: {  	_ =	swait.ge [sflag:s8], $0x2710  }
0x10: {  	[sflag:s8] =	ssyncset.done $0x0  }
0x11: {  	s11 =	simm.s32 $0x0;
	s10 =	simm.s32 $0x40;
	[sflag:s8] =	ssyncadd.s32 $0xFFFFD8F0  }
.LBB2_2:
0x12: {  	p0 =	sne.s32 s10, $0x9C00;
	v1 =	vld [tilespmem:s11+$0x0];
	_ =	sdelay $0x3  }
.Ltmp0:
0x13: {  	(pc) =	sbr.rel @p0 .LBB2_2-.Ltmp0, $2  }
0x14: {  	_ =	sdelay $0x2  }
0x15: {  	s11 =	sshra.s32 s10, $0x2;
	s10 =	sadd.s32 $0x40, s10;
	[tilespmem:v1+s7+$0x0] =	vst.idx.add.f32.msk $0xffff, v0  }
0x16: {  	v1 =	vld [tilespmem:s11+$0x0];
	_ =	sdelay $0x5  }
0x17: {  	s9 =	sadd.s32 $0x1, s9  }
0x18: {  	p0 =	sne.s32 s9, s6  }
.Ltmp1:
0x19: {  	[tilespmem:v1+s7+$0x0] =	vst.idx.add.f32.msk $0xffff, v0;
	(pc) =	sbr.rel @p0 .LBB2_1-.Ltmp1, $4  }
0x1a: {  	[hbm4b:s5+s2] =	stream.linear.scatter [tilespmem:s7], [sflag:$0x1], $0x2780, $0x38;
	[tilespmem:$0x4F00] =	vst v63  }
0x1b: {  	_ =	swait.ge [sflag:s8], $0x2780  }
0x1c: {  	[sflag:s8] =	ssyncset.done $0x0  }
0x1d: {  	[sflag:s8] =	ssyncadd.s32 $0xFFFFD880  }
0x1e: {  	_ =	sfence.sel $0x180000  }
0x1f: {  	[bflag:$0x0] =	sbarrier.arrive $0xFFFF  }
0x20: {  	p0 =	sne.s32 s0, $0x0;
	_ =	strace $0x90000047  }
0x21: {  	s0 =	sadd.s32 @!p0 $0x100000, s1;
	[bflag:$0x2] =	sbarrier.arrive $0xFFFF  }
0x22: {  	[sflag:s0] =	ssyncadd.tile.s32 @!p0 $0x1;
	_ =	shalt  }
.Lfunc_end2:
_tile_overlayer_lowered:
.L_overlay_start_2:
0x23: {  	(tag) =	ssettag $0x2  }
0x24: {  	s0 =	rddreg [dreg:$0x0];
	s2 =	stileid.u32  }
0x25: {  	s1 =	rddreg [dreg:$0x1];
	p0 =	sne.s32 s2, $0x0  }
0x26: {  	s3 =	rddreg [dreg:$0x2];
	[bflag:$0x3] =	sbarrier.arrive $0xFFFF;
	s2 =	simm.s32 @!p0 $0x1C01  }
0x27: {  	[timem:s3], [sflag:s2] =	dma.local @!p0 [hbm:s0], s1  }
0x28: {  	s0 =	simm.s32 @!p0 $0x1  }
0x29: {  	_ =	swait.ge @!p0 [sflag:s0], s1  }
0x2a: {  	s1 =	ssub.s32 @!p0 $0x0, s1;
	[sflag:s0] =	ssyncset.done @!p0 $0x0  }
0x2b: {  	[sflag:s0] =	ssyncadd.s32 @!p0 s1  }
0x2c: {  	[bflag:$0x3] =	sbarrier.arrive $0xFFFF  }
0x2d: {  	_ =	shalt  }

</sc_bundles>
